<compile_context>
chip_gen: v7x
topology: tpu7x:2x2x1
jax: 0.10.2.dev20260603
libtpu: 0.0.44.dev20260713+nightly
codegen_flags: <defaults>
</compile_context>

<pallas_src>
import functools

import jax
import jax.numpy as jnp
import numpy as np
from jax import lax
from jax.experimental import pallas as pl
from jax.experimental.pallas import tpu as pltpu
from jax.experimental.pallas import tpu_sc as plsc

_B, _N, _NC = 4, 25200, 80
_MAX_OBJ = 100
_NUM_BASE = 5
_ATTN_RES = 14
_MASK_RES = 56
_NDET = _B * _MAX_OBJ
_AP = _ATTN_RES * _ATTN_RES
_MP = _MASK_RES * _MASK_RES
_ROW = _NUM_BASE * _AP
_NPAD = 512
_DETS_PER_STEP = 40
_GRID = _NDET // _DETS_PER_STEP


def _consts_jax():
    rk = jax.random.key(1234)
    k1, k2, k3, k4, k5, k6 = jax.random.split(rk, 6)
    c = {}
    c["num_det"] = jax.random.randint(k1, (_B, 1), 0, _MAX_OBJ, dtype=jnp.int32)
    c["det_boxes"] = jax.random.normal(k2, (_B, _MAX_OBJ, 4), dtype=jnp.float32)
    c["det_scores"] = jax.random.normal(k3, (_B, _MAX_OBJ), dtype=jnp.float32)
    c["det_classes"] = jax.random.randint(k4, (_B, _MAX_OBJ), 0, _NC, dtype=jnp.int32)
    det_indices = jax.random.randint(k5, (_B, _MAX_OBJ), 0, _N, dtype=jnp.int32)
    c["pooled"] = jax.random.normal(
        k6, (_B, _MAX_OBJ, _NUM_BASE, _MASK_RES, _MASK_RES),
        dtype=jnp.float32).reshape(_NDET, _NUM_BASE, _MP)
    m1d = jax.image.resize(
        jnp.eye(_ATTN_RES, dtype=jnp.float32), (_MASK_RES, _ATTN_RES),
        method="bilinear")
    c["kmat"] = jnp.kron(m1d, m1d).T.astype(jnp.float32)
    bi = jnp.arange(_B, dtype=jnp.int32).repeat(_MAX_OBJ)
    fi = bi * _N + det_indices.reshape(-1)
    c["fi_pad"] = jnp.concatenate(
        [fi, jnp.zeros(_NPAD - _NDET, jnp.int32)])
    return c


def _build_consts():
    try:
        ctx = jax.default_device(jax.devices("cpu")[0])
    except Exception:
        import contextlib
        ctx = contextlib.nullcontext()
    with ctx:
        return {k: np.asarray(v) for k, v in _consts_jax().items()}


_C = _build_consts()

_SC_ROWS_PER_WORKER = 16


@functools.cache
def _make_sc_gather():
    mesh = plsc.VectorSubcoreMesh(core_axis_name="c", subcore_axis_name="s")

    @functools.partial(
        pl.kernel,
        mesh=mesh,
        out_type=jax.ShapeDtypeStruct((_NPAD, _ROW), jnp.float32),
        scratch_types=[
            pltpu.VMEM((_SC_ROWS_PER_WORKER,), jnp.int32),
            pltpu.VMEM((_SC_ROWS_PER_WORKER, _ROW), jnp.float32),
            pltpu.SemaphoreType.DMA,
        ],
    )
    def sc_gather(table_hbm, idx_hbm, out_hbm, idx_v, rows_v, sem):
        wid = lax.axis_index("s") * 2 + lax.axis_index("c")
        base = wid * _SC_ROWS_PER_WORKER
        pltpu.sync_copy(idx_hbm.at[pl.ds(base, _SC_ROWS_PER_WORKER)], idx_v)
        idx_vec = idx_v[...]
        for j in range(_SC_ROWS_PER_WORKER):
            pltpu.async_copy(
                table_hbm.at[pl.ds(idx_vec[j], 1)],
                rows_v.at[pl.ds(j, 1)],
                sem,
            )
        for j in range(_SC_ROWS_PER_WORKER):
            pltpu.make_async_copy(
                table_hbm.at[pl.ds(0, 1)], rows_v.at[pl.ds(j, 1)], sem
            ).wait()
        pltpu.sync_copy(rows_v, out_hbm.at[pl.ds(base, _SC_ROWS_PER_WORKER)])

    return sc_gather


def _tc_body(attn_ref, pooled_ref, kmat_ref, out_ref):
    a = attn_ref[...]
    k = kmat_ref[...]
    rs = [
        jnp.dot(a[:, j * _AP:(j + 1) * _AP], k,
                preferred_element_type=jnp.float32)
        for j in range(_NUM_BASE)
    ]
    m = rs[0]
    for j in range(1, _NUM_BASE):
        m = jnp.maximum(m, rs[j])
    es = [jnp.exp(rj - m) for rj in rs]
    s = es[0]
    for j in range(1, _NUM_BASE):
        s = s + es[j]
    acc = pooled_ref[:, 0, :] * es[0]
    for j in range(1, _NUM_BASE):
        acc = acc + pooled_ref[:, j, :] * es[j]
    out_ref[...] = jax.nn.sigmoid(acc / s)


def _tc_masks(attn_flat, pooled, kmat):
    return pl.pallas_call(
        _tc_body,
        grid=(_GRID,),
        in_specs=[
            pl.BlockSpec((_DETS_PER_STEP, _ROW), lambda i: (i, 0)),
            pl.BlockSpec((_DETS_PER_STEP, _NUM_BASE, _MP), lambda i: (i, 0, 0)),
            pl.BlockSpec((_AP, _MP), lambda i: (0, 0)),
        ],
        out_specs=pl.BlockSpec((_DETS_PER_STEP, _MP), lambda i: (i, 0)),
        out_shape=jax.ShapeDtypeStruct((_NDET, _MP), jnp.float32),
    )(attn_flat, pooled, kmat)


def kernel(x0, x1, x2):
    c = _C
    table = x1.reshape(_B * _N, _ROW)
    det_attn = _make_sc_gather()(table, jnp.asarray(c["fi_pad"]))
    masks = _tc_masks(det_attn, jnp.asarray(c["pooled"]),
                      jnp.asarray(c["kmat"]))
    return (
        jnp.asarray(c["num_det"]),
        jnp.asarray(c["det_boxes"]),
        jnp.asarray(c["det_scores"]),
        jnp.asarray(c["det_classes"]),
        masks.reshape(_B, _MAX_OBJ, _MP),
    )

# --- scband reference (transcript-rebuilt; emitter-appended) ---
"""Pipeline reference for scband-onnx-trt-mask2-36240934043987 (READ-ONLY COPY).

The authoritative reference and input builder live on the scoring server;
editing this copy changes nothing except your own understanding.
"""

import jax, jax.numpy as jnp
import numpy as np

B, N, NC = 4, 25200, 80
MAX_OBJ = 100
NUM_BASE = 5
ATTN_RES = 14
MASK_RES = 56
BASE_HW = 160


def setup_inputs(seed: int = 0) -> dict:
    key = jax.random.key(seed)
    k0, k1, k2 = jax.random.split(key, 3)
    x0 = jax.random.normal(k0, (B, N, 5 + NC), dtype=jnp.float32)
    x1 = jax.random.normal(k1, (B, N, NUM_BASE * ATTN_RES * ATTN_RES), dtype=jnp.float32)
    x2 = jax.random.normal(k2, (B, NUM_BASE, BASE_HW, BASE_HW), dtype=jnp.float32)
    return {"x0": x0, "x1": x1, "x2": x2}


def reference(x0, x1, x2):
    # x0: [B, N, 4+1+NC] raw predictions; x1: attn [B, N, num_base*14*14]; x2: bases [B, num_base, H, W]
    boxes = x0[:, :, :4]
    conf = x0[:, :, 4:5]
    scores = x0[:, :, 5:] * conf
    batch_size = boxes.shape[0]
    num_boxes = boxes.shape[1]
    num_classes = scores.shape[2]
    bases_dim = x2.shape[1]

    # TRT_NMS4 stub: outputs are random placeholders (as in the torch autograd.Function)
    rk = jax.random.key(1234)
    k1, k2, k3, k4, k5, k6 = jax.random.split(rk, 6)
    num_det = jax.random.randint(k1, (batch_size, 1), 0, MAX_OBJ, dtype=jnp.int32)
    det_boxes = jax.random.normal(k2, (batch_size, MAX_OBJ, 4), dtype=x0.dtype)
    det_scores = jax.random.normal(k3, (batch_size, MAX_OBJ), dtype=x0.dtype)
    det_classes = jax.random.randint(k4, (batch_size, MAX_OBJ), 0, num_classes, dtype=jnp.int32)
    det_indices = jax.random.randint(k5, (batch_size, MAX_OBJ), 0, num_boxes, dtype=jnp.int32)

    batch_indices = jnp.ones_like(det_indices) * jnp.arange(batch_size, dtype=jnp.int32)[:, None]
    bi = batch_indices.reshape(batch_size * MAX_OBJ)
    di = det_indices.reshape(batch_size * MAX_OBJ)
    # gather attn coefficients for the selected detections (memory-bound gather)
    det_attn = x1[bi, di]  # [B*max_obj, num_base*attn_res*attn_res]
    det_attn = det_attn.reshape(batch_size * MAX_OBJ, NUM_BASE, ATTN_RES, ATTN_RES)

    # TRT_ROIAlign2 stub: random placeholder output of shape [B, max_obj, bases_dim, mask_res, mask_res]
    pooled_bases = jax.random.normal(k6, (batch_size, MAX_OBJ, bases_dim, MASK_RES, MASK_RES), dtype=x2.dtype)
    pooled_bases = pooled_bases.reshape(batch_size * MAX_OBJ, bases_dim, MASK_RES, MASK_RES)

    # F.interpolate(mode='bilinear', align_corners=False) == jax.image.resize 'bilinear'
    det_attn = jax.image.resize(det_attn, (batch_size * MAX_OBJ, NUM_BASE, MASK_RES, MASK_RES), method='bilinear')
    det_attn = jax.nn.softmax(det_attn, axis=1)

    masks_preds = jax.nn.sigmoid(
        (pooled_bases * det_attn).sum(axis=1).reshape(batch_size, MAX_OBJ, MASK_RES * MASK_RES)
    )
    return (num_det, det_boxes, det_scores, det_classes, masks_preds)

if __name__ == "__main__":
    import jax
    _d = setup_inputs()
    print(jax.jit(kernel)(*tuple(_d.values())))

</pallas_src>

<mosaic_0001>
#map = affine_map<(d0, d1) -> (0, 0)>
#map1 = affine_map<(d0, d1) -> (0)>
module attributes {stable_mosaic.version = 14 : i64} {
  func.func @sc_gather(%arg0: i32, %arg1: i32, %arg2: memref<100800x980xf32, #tpu.memory_space<hbm>>, %arg3: memref<512xi32, #tpu.memory_space<hbm>>, %arg4: memref<512x980xf32, #tpu.memory_space<hbm>>, %arg5: memref<16xi32, #tpu.memory_space<vmem>>, %arg6: memref<16x980xf32, #tpu.memory_space<vmem>>, %arg7: memref<!tpu.dma_semaphore, #tpu.memory_space<semaphore_mem>>) attributes {dimension_semantics = [#tpu.dimension_semantics<core_parallel>, #tpu.dimension_semantics<subcore_parallel>], iteration_bounds = array<i64: 2, 16>, scalar_prefetch = 0 : i64, scratch_operands = 3 : i64, tpu.core_type = #tpu.core_type<sc_vector_subcore>, window_params = [{transform_indices = #map}, {transform_indices = #map1}, {transform_indices = #map}]} {
    %mul3A = arith.constant 2 : i32
    %mul3A_0 = arith.muli %arg1, %mul3A : i32
    %add3A = arith.addi %mul3A_0, %arg0 : i32
    %mul3A_1 = arith.constant 16 : i32
    %mul3A_2 = arith.muli %add3A, %mul3A_1 : i32
    "tpu.region"() ({
      %run_scoped3A = tpu.sem_alloc : memref<!tpu.dma_semaphore, #tpu.memory_space<semaphore_mem>>
      %dma_start3A_385 = tpu.memref_slice %arg3[%mul3A_2] : memref<512xi32, #tpu.memory_space<hbm>> -> memref<16xi32, #tpu.memory_space<hbm>>
      %dma_start3A_386 = tpu.memref_slice %arg3[%mul3A_2] : memref<512xi32, #tpu.memory_space<hbm>> -> memref<16xi32, #tpu.memory_space<hbm>>
      tpu.enqueue_dma source(%dma_start3A_386 : memref<16xi32, #tpu.memory_space<hbm>>) target(%arg5 : memref<16xi32, #tpu.memory_space<vmem>>) target_semaphore(%run_scoped3A : memref<!tpu.dma_semaphore, #tpu.memory_space<semaphore_mem>>)
      %dma_wait3A_387 = tpu.memref_slice %arg3[%mul3A_2] : memref<512xi32, #tpu.memory_space<hbm>> -> memref<16xi32, #tpu.memory_space<hbm>>
      %dma_wait3A_388 = tpu.memref_slice %arg3[%mul3A_2] : memref<512xi32, #tpu.memory_space<hbm>> -> memref<16xi32, #tpu.memory_space<hbm>>
      tpu.wait_dma2 semaphore(%run_scoped3A : memref<!tpu.dma_semaphore, #tpu.memory_space<semaphore_mem>>) src(%dma_wait3A_388 : memref<16xi32, #tpu.memory_space<hbm>>) dst(%arg5 : memref<16xi32, #tpu.memory_space<vmem>>)
      tpu.yield
    }) : () -> ()
    %get3A = arith.constant 0 : index
    %get3A_3 = tpu.vector_load %arg5[%get3A] {strides = array<i32>} : memref<16xi32, #tpu.memory_space<vmem>>, vector<16xi32>,
    %get3A_4 = vector.shape_cast %get3A_3 : vector<16xi32> to vector<16xi32>
    %slice3A = vector.extract_strided_slice %get3A_4 {offsets = [0], sizes = [1], strides = [1]} : vector<16xi32> to vector<1xi32>
    %squeeze3A = vector.extract %slice3A[0] : i32 from vector<1xi32>
    %dma_start3A = arith.constant 0 : i32
    %dma_start3A_5 = arith.constant 0 : i32
    %dma_start3A_6 = tpu.memref_slice %arg6[%dma_start3A, %dma_start3A_5] : memref<16x980xf32, #tpu.memory_space<vmem>> -> memref<1x980xf32, #tpu.memory_space<vmem>>
    %dma_start3A_7 = arith.constant 0 : i32
    %dma_start3A_8 = tpu.memref_slice %arg2[%squeeze3A, %dma_start3A_7] : memref<100800x980xf32, #tpu.memory_space<hbm>> -> memref<1x980xf32, #tpu.memory_space<hbm>>
    %dma_start3A_9 = arith.constant 0 : i32
    %dma_start3A_10 = arith.constant 0 : i32
    %dma_start3A_11 = tpu.memref_slice %arg6[%dma_start3A_9, %dma_start3A_10] : memref<16x980xf32, #tpu.memory_space<vmem>> -> memref<1x980xf32, #tpu.memory_space<vmem>>
    %dma_start3A_12 = arith.constant 0 : i32
    %dma_start3A_13 = tpu.memref_slice %arg2[%squeeze3A, %dma_start3A_12] : memref<100800x980xf32, #tpu.memory_space<hbm>> -> memref<1x980xf32, #tpu.memory_space<hbm>>
    tpu.enqueue_dma source(%dma_start3A_13 : memref<1x980xf32, #tpu.memory_space<hbm>>) target(%dma_start3A_11 : memref<1x980xf32, #tpu.memory_space<vmem>>) target_semaphore(%arg7 : memref<!tpu.dma_semaphore, #tpu.memory_space<semaphore_mem>>)
    %slice3A_14 = vector.extract_strided_slice %get3A_4 {offsets = [1], sizes = [1], strides = [1]} : vector<16xi32> to vector<1xi32>
    %squeeze3A_15 = vector.extract %slice3A_14[0] : i32 from vector<1xi32>
    %dma_start3A_16 = arith.constant 1 : i32
    %dma_start3A_17 = arith.constant 0 : i32
    %dma_start3A_18 = tpu.memref_slice %arg6[%dma_start3A_16, %dma_start3A_17] : memref<16x980xf32, #tpu.memory_space<vmem>> -> memref<1x980xf32, #tpu.memory_space<vmem>>
    %dma_start3A_19 = arith.constant 0 : i32
    %dma_start3A_20 = tpu.memref_slice %arg2[%squeeze3A_15, %dma_start3A_19] : memref<100800x980xf32, #tpu.memory_space<hbm>> -> memref<1x980xf32, #tpu.memory_space<hbm>>
    %dma_start3A_21 = arith.constant 1 : i32
    %dma_start3A_22 = arith.constant 0 : i32
    %dma_start3A_23 = tpu.memref_slice %arg6[%dma_start3A_21, %dma_start3A_22] : memref<16x980xf32, #tpu.memory_space<vmem>> -> memref<1x980xf32, #tpu.memory_space<vmem>>
    %dma_start3A_24 = arith.constant 0 : i32
    %dma_start3A_25 = tpu.memref_slice %arg2[%squeeze3A_15, %dma_start3A_24] : memref<100800x980xf32, #tpu.memory_space<hbm>> -> memref<1x980xf32, #tpu.memory_space<hbm>>
    tpu.enqueue_dma source(%dma_start3A_25 : memref<1x980xf32, #tpu.memory_space<hbm>>) target(%dma_start3A_23 : memref<1x980xf32, #tpu.memory_space<vmem>>) target_semaphore(%arg7 : memref<!tpu.dma_semaphore, #tpu.memory_space<semaphore_mem>>)
    %slice3A_26 = vector.extract_strided_slice %get3A_4 {offsets = [2], sizes = [1], strides = [1]} : vector<16xi32> to vector<1xi32>
    %squeeze3A_27 = vector.extract %slice3A_26[0] : i32 from vector<1xi32>
    %dma_start3A_28 = arith.constant 2 : i32
    %dma_start3A_29 = arith.constant 0 : i32
    %dma_start3A_30 = tpu.memref_slice %arg6[%dma_start3A_28, %dma_start3A_29] : memref<16x980xf32, #tpu.memory_space<vmem>> -> memref<1x980xf32, #tpu.memory_space<vmem>>
    %dma_start3A_31 = arith.constant 0 : i32
    %dma_start3A_32 = tpu.memref_slice %arg2[%squeeze3A_27, %dma_start3A_31] : memref<100800x980xf32, #tpu.memory_space<hbm>> -> memref<1x980xf32, #tpu.memory_space<hbm>>
    %dma_start3A_33 = arith.constant 2 : i32
    %dma_start3A_34 = arith.constant 0 : i32
    %dma_start3A_35 = tpu.memref_slice %arg6[%dma_start3A_33, %dma_start3A_34] : memref<16x980xf32, #tpu.memory_space<vmem>> -> memref<1x980xf32, #tpu.memory_space<vmem>>
    %dma_start3A_36 = arith.constant 0 : i32
    %dma_start3A_37 = tpu.memref_slice %arg2[%squeeze3A_27, %dma_start3A_36] : memref<100800x980xf32, #tpu.memory_space<hbm>> -> memref<1x980xf32, #tpu.memory_space<hbm>>
    tpu.enqueue_dma source(%dma_start3A_37 : memref<1x980xf32, #tpu.memory_space<hbm>>) target(%dma_start3A_35 : memref<1x980xf32, #tpu.memory_space<vmem>>) target_semaphore(%arg7 : memref<!tpu.dma_semaphore, #tpu.memory_space<semaphore_mem>>)
    %slice3A_38 = vector.extract_strided_slice %get3A_4 {offsets = [3], sizes = [1], strides = [1]} : vector<16xi32> to vector<1xi32>
    %squeeze3A_39 = vector.extract %slice3A_38[0] : i32 from vector<1xi32>
    %dma_start3A_40 = arith.constant 3 : i32
    %dma_start3A_41 = arith.constant 0 : i32
    %dma_start3A_42 = tpu.memref_slice %arg6[%dma_start3A_40, %dma_start3A_41] : memref<16x980xf32, #tpu.memory_space<vmem>> -> memref<1x980xf32, #tpu.memory_space<vmem>>
    %dma_start3A_43 = arith.constant 0 : i32
    %dma_start3A_44 = tpu.memref_slice %arg2[%squeeze3A_39, %dma_start3A_43] : memref<100800x980xf32, #tpu.memory_space<hbm>> -> memref<1x980xf32, #tpu.memory_space<hbm>>
    %dma_start3A_45 = arith.constant 3 : i32
    %dma_start3A_46 = arith.constant 0 : i32
    %dma_start3A_47 = tpu.memref_slice %arg6[%dma_start3A_45, %dma_start3A_46] : memref<16x980xf32, #tpu.memory_space<vmem>> -> memref<1x980xf32, #tpu.memory_space<vmem>>
    %dma_start3A_48 = arith.constant 0 : i32
    %dma_start3A_49 = tpu.memref_slice %arg2[%squeeze3A_39, %dma_start3A_48] : memref<100800x980xf32, #tpu.memory_space<hbm>> -> memref<1x980xf32, #tpu.memory_space<hbm>>
    tpu.enqueue_dma source(%dma_start3A_49 : memref<1x980xf32, #tpu.memory_space<hbm>>) target(%dma_start3A_47 : memref<1x980xf32, #tpu.memory_space<vmem>>) target_semaphore(%arg7 : memref<!tpu.dma_semaphore, #tpu.memory_space<semaphore_mem>>)
    %slice3A_50 = vector.extract_strided_slice %get3A_4 {offsets = [4], sizes = [1], strides = [1]} : vector<16xi32> to vector<1xi32>
    %squeeze3A_51 = vector.extract %slice3A_50[0] : i32 from vector<1xi32>
    %dma_start3A_52 = arith.constant 4 : i32
    %dma_start3A_53 = arith.constant 0 : i32
    %dma_start3A_54 = tpu.memref_slice %arg6[%dma_start3A_52, %dma_start3A_53] : memref<16x980xf32, #tpu.memory_space<vmem>> -> memref<1x980xf32, #tpu.memory_space<vmem>>
    %dma_start3A_55 = arith.constant 0 : i32
    %dma_start3A_56 = tpu.memref_slice %arg2[%squeeze3A_51, %dma_start3A_55] : memref<100800x980xf32, #tpu.memory_space<hbm>> -> memref<1x980xf32, #tpu.memory_space<hbm>>
    %dma_start3A_57 = arith.constant 4 : i32
    %dma_start3A_58 = arith.constant 0 : i32
    %dma_start3A_59 = tpu.memref_slice %arg6[%dma_start3A_57, %dma_start3A_58] : memref<16x980xf32, #tpu.memory_space<vmem>> -> memref<1x980xf32, #tpu.memory_space<vmem>>
    %dma_start3A_60 = arith.constant 0 : i32
    %dma_start3A_61 = tpu.memref_slice %arg2[%squeeze3A_51, %dma_start3A_60] : memref<100800x980xf32, #tpu.memory_space<hbm>> -> memref<1x980xf32, #tpu.memory_space<hbm>>
    tpu.enqueue_dma source(%dma_start3A_61 : memref<1x980xf32, #tpu.memory_space<hbm>>) target(%dma_start3A_59 : memref<1x980xf32, #tpu.memory_space<vmem>>) target_semaphore(%arg7 : memref<!tpu.dma_semaphore, #tpu.memory_space<semaphore_mem>>)
    %slice3A_62 = vector.extract_strided_slice %get3A_4 {offsets = [5], sizes = [1], strides = [1]} : vector<16xi32> to vector<1xi32>
    %squeeze3A_63 = vector.extract %slice3A_62[0] : i32 from vector<1xi32>
    %dma_start3A_64 = arith.constant 5 : i32
    %dma_start3A_65 = arith.constant 0 : i32
    %dma_start3A_66 = tpu.memref_slice %arg6[%dma_start3A_64, %dma_start3A_65] : memref<16x980xf32, #tpu.memory_space<vmem>> -> memref<1x980xf32, #tpu.memory_space<vmem>>
    %dma_start3A_67 = arith.constant 0 : i32
    %dma_start3A_68 = tpu.memref_slice %arg2[%squeeze3A_63, %dma_start3A_67] : memref<100800x980xf32, #tpu.memory_space<hbm>> -> memref<1x980xf32, #tpu.memory_space<hbm>>
    %dma_start3A_69 = arith.constant 5 : i32
    %dma_start3A_70 = arith.constant 0 : i32
    %dma_start3A_71 = tpu.memref_slice %arg6[%dma_start3A_69, %dma_start3A_70] : memref<16x980xf32, #tpu.memory_space<vmem>> -> memref<1x980xf32, #tpu.memory_space<vmem>>
    %dma_start3A_72 = arith.constant 0 : i32
    %dma_start3A_73 = tpu.memref_slice %arg2[%squeeze3A_63, %dma_start3A_72] : memref<100800x980xf32, #tpu.memory_space<hbm>> -> memref<1x980xf32, #tpu.memory_space<hbm>>
    tpu.enqueue_dma source(%dma_start3A_73 : memref<1x980xf32, #tpu.memory_space<hbm>>) target(%dma_start3A_71 : memref<1x980xf32, #tpu.memory_space<vmem>>) target_semaphore(%arg7 : memref<!tpu.dma_semaphore, #tpu.memory_space<semaphore_mem>>)
    %slice3A_74 = vector.extract_strided_slice %get3A_4 {offsets = [6], sizes = [1], strides = [1]} : vector<16xi32> to vector<1xi32>
    %squeeze3A_75 = vector.extract %slice3A_74[0] : i32 from vector<1xi32>
    %dma_start3A_76 = arith.constant 6 : i32
    %dma_start3A_77 = arith.constant 0 : i32
    %dma_start3A_78 = tpu.memref_slice %arg6[%dma_start3A_76, %dma_start3A_77] : memref<16x980xf32, #tpu.memory_space<vmem>> -> memref<1x980xf32, #tpu.memory_space<vmem>>
    %dma_start3A_79 = arith.constant 0 : i32
    %dma_start3A_80 = tpu.memref_slice %arg2[%squeeze3A_75, %dma_start3A_79] : memref<100800x980xf32, #tpu.memory_space<hbm>> -> memref<1x980xf32, #tpu.memory_space<hbm>>
    %dma_start3A_81 = arith.constant 6 : i32
    %dma_start3A_82 = arith.constant 0 : i32
    %dma_start3A_83 = tpu.memref_slice %arg6[%dma_start3A_81, %dma_start3A_82] : memref<16x980xf32, #tpu.memory_space<vmem>> -> memref<1x980xf32, #tpu.memory_space<vmem>>
    %dma_start3A_84 = arith.constant 0 : i32
    %dma_start3A_85 = tpu.memref_slice %arg2[%squeeze3A_75, %dma_start3A_84] : memref<100800x980xf32, #tpu.memory_space<hbm>> -> memref<1x980xf32, #tpu.memory_space<hbm>>
    tpu.enqueue_dma source(%dma_start3A_85 : memref<1x980xf32, #tpu.memory_space<hbm>>) target(%dma_start3A_83 : memref<1x980xf32, #tpu.memory_space<vmem>>) target_semaphore(%arg7 : memref<!tpu.dma_semaphore, #tpu.memory_space<semaphore_mem>>)
    %slice3A_86 = vector.extract_strided_slice %get3A_4 {offsets = [7], sizes = [1], strides = [1]} : vector<16xi32> to vector<1xi32>
    %squeeze3A_87 = vector.extract %slice3A_86[0] : i32 from vector<1xi32>
    %dma_start3A_88 = arith.constant 7 : i32
    %dma_start3A_89 = arith.constant 0 : i32
    %dma_start3A_90 = tpu.memref_slice %arg6[%dma_start3A_88, %dma_start3A_89] : memref<16x980xf32, #tpu.memory_space<vmem>> -> memref<1x980xf32, #tpu.memory_space<vmem>>
    %dma_start3A_91 = arith.constant 0 : i32
    %dma_start3A_92 = tpu.memref_slice %arg2[%squeeze3A_87, %dma_start3A_91] : memref<100800x980xf32, #tpu.memory_space<hbm>> -> memref<1x980xf32, #tpu.memory_space<hbm>>
    %dma_start3A_93 = arith.constant 7 : i32
    %dma_start3A_94 = arith.constant 0 : i32
    %dma_start3A_95 = tpu.memref_slice %arg6[%dma_start3A_93, %dma_start3A_94] : memref<16x980xf32, #tpu.memory_space<vmem>> -> memref<1x980xf32, #tpu.memory_space<vmem>>
    %dma_start3A_96 = arith.constant 0 : i32
    %dma_start3A_97 = tpu.memref_slice %arg2[%squeeze3A_87, %dma_start3A_96] : memref<100800x980xf32, #tpu.memory_space<hbm>> -> memref<1x980xf32, #tpu.memory_space<hbm>>
    tpu.enqueue_dma source(%dma_start3A_97 : memref<1x980xf32, #tpu.memory_space<hbm>>) target(%dma_start3A_95 : memref<1x980xf32, #tpu.memory_space<vmem>>) target_semaphore(%arg7 : memref<!tpu.dma_semaphore, #tpu.memory_space<semaphore_mem>>)
    %slice3A_98 = vector.extract_strided_slice %get3A_4 {offsets = [8], sizes = [1], strides = [1]} : vector<16xi32> to vector<1xi32>
    %squeeze3A_99 = vector.extract %slice3A_98[0] : i32 from vector<1xi32>
    %dma_start3A_100 = arith.constant 8 : i32
    %dma_start3A_101 = arith.constant 0 : i32
    %dma_start3A_102 = tpu.memref_slice %arg6[%dma_start3A_100, %dma_start3A_101] : memref<16x980xf32, #tpu.memory_space<vmem>> -> memref<1x980xf32, #tpu.memory_space<vmem>>
    %dma_start3A_103 = arith.constant 0 : i32
    %dma_start3A_104 = tpu.memref_slice %arg2[%squeeze3A_99, %dma_start3A_103] : memref<100800x980xf32, #tpu.memory_space<hbm>> -> memref<1x980xf32, #tpu.memory_space<hbm>>
    %dma_start3A_105 = arith.constant 8 : i32
    %dma_start3A_106 = arith.constant 0 : i32
    %dma_start3A_107 = tpu.memref_slice %arg6[%dma_start3A_105, %dma_start3A_106] : memref<16x980xf32, #tpu.memory_space<vmem>> -> memref<1x980xf32, #tpu.memory_space<vmem>>
    %dma_start3A_108 = arith.constant 0 : i32
    %dma_start3A_109 = tpu.memref_slice %arg2[%squeeze3A_99, %dma_start3A_108] : memref<100800x980xf32, #tpu.memory_space<hbm>> -> memref<1x980xf32, #tpu.memory_space<hbm>>
    tpu.enqueue_dma source(%dma_start3A_109 : memref<1x980xf32, #tpu.memory_space<hbm>>) target(%dma_start3A_107 : memref<1x980xf32, #tpu.memory_space<vmem>>) target_semaphore(%arg7 : memref<!tpu.dma_semaphore, #tpu.memory_space<semaphore_mem>>)
    %slice3A_110 = vector.extract_strided_slice %get3A_4 {offsets = [9], sizes = [1], strides = [1]} : vector<16xi32> to vector<1xi32>
    %squeeze3A_111 = vector.extract %slice3A_110[0] : i32 from vector<1xi32>
    %dma_start3A_112 = arith.constant 9 : i32
    %dma_start3A_113 = arith.constant 0 : i32
    %dma_start3A_114 = tpu.memref_slice %arg6[%dma_start3A_112, %dma_start3A_113] : memref<16x980xf32, #tpu.memory_space<vmem>> -> memref<1x980xf32, #tpu.memory_space<vmem>>
    %dma_start3A_115 = arith.constant 0 : i32
    %dma_start3A_116 = tpu.memref_slice %arg2[%squeeze3A_111, %dma_start3A_115] : memref<100800x980xf32, #tpu.memory_space<hbm>> -> memref<1x980xf32, #tpu.memory_space<hbm>>
    %dma_start3A_117 = arith.constant 9 : i32
    %dma_start3A_118 = arith.constant 0 : i32
    %dma_start3A_119 = tpu.memref_slice %arg6[%dma_start3A_117, %dma_start3A_118] : memref<16x980xf32, #tpu.memory_space<vmem>> -> memref<1x980xf32, #tpu.memory_space<vmem>>
    %dma_start3A_120 = arith.constant 0 : i32
    %dma_start3A_121 = tpu.memref_slice %arg2[%squeeze3A_111, %dma_start3A_120] : memref<100800x980xf32, #tpu.memory_space<hbm>> -> memref<1x980xf32, #tpu.memory_space<hbm>>
    tpu.enqueue_dma source(%dma_start3A_121 : memref<1x980xf32, #tpu.memory_space<hbm>>) target(%dma_start3A_119 : memref<1x980xf32, #tpu.memory_space<vmem>>) target_semaphore(%arg7 : memref<!tpu.dma_semaphore, #tpu.memory_space<semaphore_mem>>)
    %slice3A_122 = vector.extract_strided_slice %get3A_4 {offsets = [10], sizes = [1], strides = [1]} : vector<16xi32> to vector<1xi32>
    %squeeze3A_123 = vector.extract %slice3A_122[0] : i32 from vector<1xi32>
    %dma_start3A_124 = arith.constant 10 : i32
    %dma_start3A_125 = arith.constant 0 : i32
    %dma_start3A_126 = tpu.memref_slice %arg6[%dma_start3A_124, %dma_start3A_125] : memref<16x980xf32, #tpu.memory_space<vmem>> -> memref<1x980xf32, #tpu.memory_space<vmem>>
    %dma_start3A_127 = arith.constant 0 : i32
    %dma_start3A_128 = tpu.memref_slice %arg2[%squeeze3A_123, %dma_start3A_127] : memref<100800x980xf32, #tpu.memory_space<hbm>> -> memref<1x980xf32, #tpu.memory_space<hbm>>
    %dma_start3A_129 = arith.constant 10 : i32
    %dma_start3A_130 = arith.constant 0 : i32
    %dma_start3A_131 = tpu.memref_slice %arg6[%dma_start3A_129, %dma_start3A_130] : memref<16x980xf32, #tpu.memory_space<vmem>> -> memref<1x980xf32, #tpu.memory_space<vmem>>
    %dma_start3A_132 = arith.constant 0 : i32
    %dma_start3A_133 = tpu.memref_slice %arg2[%squeeze3A_123, %dma_start3A_132] : memref<100800x980xf32, #tpu.memory_space<hbm>> -> memref<1x980xf32, #tpu.memory_space<hbm>>
    tpu.enqueue_dma source(%dma_start3A_133 : memref<1x980xf32, #tpu.memory_space<hbm>>) target(%dma_start3A_131 : memref<1x980xf32, #tpu.memory_space<vmem>>) target_semaphore(%arg7 : memref<!tpu.dma_semaphore, #tpu.memory_space<semaphore_mem>>)
    %slice3A_134 = vector.extract_strided_slice %get3A_4 {offsets = [11], sizes = [1], strides = [1]} : vector<16xi32> to vector<1xi32>
    %squeeze3A_135 = vector.extract %slice3A_134[0] : i32 from vector<1xi32>
    %dma_start3A_136 = arith.constant 11 : i32
    %dma_start3A_137 = arith.constant 0 : i32
    %dma_start3A_138 = tpu.memref_slice %arg6[%dma_start3A_136, %dma_start3A_137] : memref<16x980xf32, #tpu.memory_space<vmem>> -> memref<1x980xf32, #tpu.memory_space<vmem>>
    %dma_start3A_139 = arith.constant 0 : i32
    %dma_start3A_140 = tpu.memref_slice %arg2[%squeeze3A_135, %dma_start3A_139] : memref<100800x980xf32, #tpu.memory_space<hbm>> -> memref<1x980xf32, #tpu.memory_space<hbm>>
    %dma_start3A_141 = arith.constant 11 : i32
    %dma_start3A_142 = arith.constant 0 : i32
    %dma_start3A_143 = tpu.memref_slice %arg6[%dma_start3A_141, %dma_start3A_142] : memref<16x980xf32, #tpu.memory_space<vmem>> -> memref<1x980xf32, #tpu.memory_space<vmem>>
    %dma_start3A_144 = arith.constant 0 : i32
    %dma_start3A_145 = tpu.memref_slice %arg2[%squeeze3A_135, %dma_start3A_144] : memref<100800x980xf32, #tpu.memory_space<hbm>> -> memref<1x980xf32, #tpu.memory_space<hbm>>
    tpu.enqueue_dma source(%dma_start3A_145 : memref<1x980xf32, #tpu.memory_space<hbm>>) target(%dma_start3A_143 : memref<1x980xf32, #tpu.memory_space<vmem>>) target_semaphore(%arg7 : memref<!tpu.dma_semaphore, #tpu.memory_space<semaphore_mem>>)
    %slice3A_146 = vector.extract_strided_slice %get3A_4 {offsets = [12], sizes = [1], strides = [1]} : vector<16xi32> to vector<1xi32>
    %squeeze3A_147 = vector.extract %slice3A_146[0] : i32 from vector<1xi32>
    %dma_start3A_148 = arith.constant 12 : i32
    %dma_start3A_149 = arith.constant 0 : i32
    %dma_start3A_150 = tpu.memref_slice %arg6[%dma_start3A_148, %dma_start3A_149] : memref<16x980xf32, #tpu.memory_space<vmem>> -> memref<1x980xf32, #tpu.memory_space<vmem>>
    %dma_start3A_151 = arith.constant 0 : i32
    %dma_start3A_152 = tpu.memref_slice %arg2[%squeeze3A_147, %dma_start3A_151] : memref<100800x980xf32, #tpu.memory_space<hbm>> -> memref<1x980xf32, #tpu.memory_space<hbm>>
    %dma_start3A_153 = arith.constant 12 : i32
    %dma_start3A_154 = arith.constant 0 : i32
    %dma_start3A_155 = tpu.memref_slice %arg6[%dma_start3A_153, %dma_start3A_154] : memref<16x980xf32, #tpu.memory_space<vmem>> -> memref<1x980xf32, #tpu.memory_space<vmem>>
    %dma_start3A_156 = arith.constant 0 : i32
    %dma_start3A_157 = tpu.memref_slice %arg2[%squeeze3A_147, %dma_start3A_156] : memref<100800x980xf32, #tpu.memory_space<hbm>> -> memref<1x980xf32, #tpu.memory_space<hbm>>
    tpu.enqueue_dma source(%dma_start3A_157 : memref<1x980xf32, #tpu.memory_space<hbm>>) target(%dma_start3A_155 : memref<1x980xf32, #tpu.memory_space<vmem>>) target_semaphore(%arg7 : memref<!tpu.dma_semaphore, #tpu.memory_space<semaphore_mem>>)
    %slice3A_158 = vector.extract_strided_slice %get3A_4 {offsets = [13], sizes = [1], strides = [1]} : vector<16xi32> to vector<1xi32>
    %squeeze3A_159 = vector.extract %slice3A_158[0] : i32 from vector<1xi32>
    %dma_start3A_160 = arith.constant 13 : i32
    %dma_start3A_161 = arith.constant 0 : i32
    %dma_start3A_162 = tpu.memref_slice %arg6[%dma_start3A_160, %dma_start3A_161] : memref<16x980xf32, #tpu.memory_space<vmem>> -> memref<1x980xf32, #tpu.memory_space<vmem>>
    %dma_start3A_163 = arith.constant 0 : i32
    %dma_start3A_164 = tpu.memref_slice %arg2[%squeeze3A_159, %dma_start3A_163] : memref<100800x980xf32, #tpu.memory_space<hbm>> -> memref<1x980xf32, #tpu.memory_space<hbm>>
    %dma_start3A_165 = arith.constant 13 : i32
    %dma_start3A_166 = arith.constant 0 : i32
    %dma_start3A_167 = tpu.memref_slice %arg6[%dma_start3A_165, %dma_start3A_166] : memref<16x980xf32, #tpu.memory_space<vmem>> -> memref<1x980xf32, #tpu.memory_space<vmem>>
    %dma_start3A_168 = arith.constant 0 : i32
    %dma_start3A_169 = tpu.memref_slice %arg2[%squeeze3A_159, %dma_start3A_168] : memref<100800x980xf32, #tpu.memory_space<hbm>> -> memref<1x980xf32, #tpu.memory_space<hbm>>
    tpu.enqueue_dma source(%dma_start3A_169 : memref<1x980xf32, #tpu.memory_space<hbm>>) target(%dma_start3A_167 : memref<1x980xf32, #tpu.memory_space<vmem>>) target_semaphore(%arg7 : memref<!tpu.dma_semaphore, #tpu.memory_space<semaphore_mem>>)
    %slice3A_170 = vector.extract_strided_slice %get3A_4 {offsets = [14], sizes = [1], strides = [1]} : vector<16xi32> to vector<1xi32>
    %squeeze3A_171 = vector.extract %slice3A_170[0] : i32 from vector<1xi32>
    %dma_start3A_172 = arith.constant 14 : i32
    %dma_start3A_173 = arith.constant 0 : i32
    %dma_start3A_174 = tpu.memref_slice %arg6[%dma_start3A_172, %dma_start3A_173] : memref<16x980xf32, #tpu.memory_space<vmem>> -> memref<1x980xf32, #tpu.memory_space<vmem>>
    %dma_start3A_175 = arith.constant 0 : i32
    %dma_start3A_176 = tpu.memref_slice %arg2[%squeeze3A_171, %dma_start3A_175] : memref<100800x980xf32, #tpu.memory_space<hbm>> -> memref<1x980xf32, #tpu.memory_space<hbm>>
    %dma_start3A_177 = arith.constant 14 : i32
    %dma_start3A_178 = arith.constant 0 : i32
    %dma_start3A_179 = tpu.memref_slice %arg6[%dma_start3A_177, %dma_start3A_178] : memref<16x980xf32, #tpu.memory_space<vmem>> -> memref<1x980xf32, #tpu.memory_space<vmem>>
    %dma_start3A_180 = arith.constant 0 : i32
    %dma_start3A_181 = tpu.memref_slice %arg2[%squeeze3A_171, %dma_start3A_180] : memref<100800x980xf32, #tpu.memory_space<hbm>> -> memref<1x980xf32, #tpu.memory_space<hbm>>
    tpu.enqueue_dma source(%dma_start3A_181 : memref<1x980xf32, #tpu.memory_space<hbm>>) target(%dma_start3A_179 : memref<1x980xf32, #tpu.memory_space<vmem>>) target_semaphore(%arg7 : memref<!tpu.dma_semaphore, #tpu.memory_space<semaphore_mem>>)
    %slice3A_182 = vector.extract_strided_slice %get3A_4 {offsets = [15], sizes = [1], strides = [1]} : vector<16xi32> to vector<1xi32>
    %squeeze3A_183 = vector.extract %slice3A_182[0] : i32 from vector<1xi32>
    %dma_start3A_184 = arith.constant 15 : i32
    %dma_start3A_185 = arith.constant 0 : i32
    %dma_start3A_186 = tpu.memref_slice %arg6[%dma_start3A_184, %dma_start3A_185] : memref<16x980xf32, #tpu.memory_space<vmem>> -> memref<1x980xf32, #tpu.memory_space<vmem>>
    %dma_start3A_187 = arith.constant 0 : i32
    %dma_start3A_188 = tpu.memref_slice %arg2[%squeeze3A_183, %dma_start3A_187] : memref<100800x980xf32, #tpu.memory_space<hbm>> -> memref<1x980xf32, #tpu.memory_space<hbm>>
    %dma_start3A_189 = arith.constant 15 : i32
    %dma_start3A_190 = arith.constant 0 : i32
    %dma_start3A_191 = tpu.memref_slice %arg6[%dma_start3A_189, %dma_start3A_190] : memref<16x980xf32, #tpu.memory_space<vmem>> -> memref<1x980xf32, #tpu.memory_space<vmem>>
    %dma_start3A_192 = arith.constant 0 : i32
    %dma_start3A_193 = tpu.memref_slice %arg2[%squeeze3A_183, %dma_start3A_192] : memref<100800x980xf32, #tpu.memory_space<hbm>> -> memref<1x980xf32, #tpu.memory_space<hbm>>
    tpu.enqueue_dma source(%dma_start3A_193 : memref<1x980xf32, #tpu.memory_space<hbm>>) target(%dma_start3A_191 : memref<1x980xf32, #tpu.memory_space<vmem>>) target_semaphore(%arg7 : memref<!tpu.dma_semaphore, #tpu.memory_space<semaphore_mem>>)
    %dma_wait3A = arith.constant 0 : i32
    %dma_wait3A_194 = arith.constant 0 : i32
    %dma_wait3A_195 = tpu.memref_slice %arg6[%dma_wait3A, %dma_wait3A_194] : memref<16x980xf32, #tpu.memory_space<vmem>> -> memref<1x980xf32, #tpu.memory_space<vmem>>
    %dma_wait3A_196 = arith.constant 0 : i32
    %dma_wait3A_197 = arith.constant 0 : i32
    %dma_wait3A_198 = tpu.memref_slice %arg2[%dma_wait3A_196, %dma_wait3A_197] : memref<100800x980xf32, #tpu.memory_space<hbm>> -> memref<1x980xf32, #tpu.memory_space<hbm>>
    %dma_wait3A_199 = arith.constant 0 : i32
    %dma_wait3A_200 = arith.constant 0 : i32
    %dma_wait3A_201 = tpu.memref_slice %arg6[%dma_wait3A_199, %dma_wait3A_200] : memref<16x980xf32, #tpu.memory_space<vmem>> -> memref<1x980xf32, #tpu.memory_space<vmem>>
    %dma_wait3A_202 = arith.constant 0 : i32
    %dma_wait3A_203 = arith.constant 0 : i32
    %dma_wait3A_204 = tpu.memref_slice %arg2[%dma_wait3A_202, %dma_wait3A_203] : memref<100800x980xf32, #tpu.memory_space<hbm>> -> memref<1x980xf32, #tpu.memory_space<hbm>>
    tpu.wait_dma2 semaphore(%arg7 : memref<!tpu.dma_semaphore, #tpu.memory_space<semaphore_mem>>) src(%dma_wait3A_204 : memref<1x980xf32, #tpu.memory_space<hbm>>) dst(%dma_wait3A_201 : memref<1x980xf32, #tpu.memory_space<vmem>>)
    %dma_wait3A_205 = arith.constant 1 : i32
    %dma_wait3A_206 = arith.constant 0 : i32
    %dma_wait3A_207 = tpu.memref_slice %arg6[%dma_wait3A_205, %dma_wait3A_206] : memref<16x980xf32, #tpu.memory_space<vmem>> -> memref<1x980xf32, #tpu.memory_space<vmem>>
    %dma_wait3A_208 = arith.constant 0 : i32
    %dma_wait3A_209 = arith.constant 0 : i32
    %dma_wait3A_210 = tpu.memref_slice %arg2[%dma_wait3A_208, %dma_wait3A_209] : memref<100800x980xf32, #tpu.memory_space<hbm>> -> memref<1x980xf32, #tpu.memory_space<hbm>>
    %dma_wait3A_211 = arith.constant 1 : i32
    %dma_wait3A_212 = arith.constant 0 : i32
    %dma_wait3A_213 = tpu.memref_slice %arg6[%dma_wait3A_211, %dma_wait3A_212] : memref<16x980xf32, #tpu.memory_space<vmem>> -> memref<1x980xf32, #tpu.memory_space<vmem>>
    %dma_wait3A_214 = arith.constant 0 : i32
    %dma_wait3A_215 = arith.constant 0 : i32
    %dma_wait3A_216 = tpu.memref_slice %arg2[%dma_wait3A_214, %dma_wait3A_215] : memref<100800x980xf32, #tpu.memory_space<hbm>> -> memref<1x980xf32, #tpu.memory_space<hbm>>
    tpu.wait_dma2 semaphore(%arg7 : memref<!tpu.dma_semaphore, #tpu.memory_space<semaphore_mem>>) src(%dma_wait3A_216 : memref<1x980xf32, #tpu.memory_space<hbm>>) dst(%dma_wait3A_213 : memref<1x980xf32, #tpu.memory_space<vmem>>)
    %dma_wait3A_217 = arith.constant 2 : i32
    %dma_wait3A_218 = arith.constant 0 : i32
    %dma_wait3A_219 = tpu.memref_slice %arg6[%dma_wait3A_217, %dma_wait3A_218] : memref<16x980xf32, #tpu.memory_space<vmem>> -> memref<1x980xf32, #tpu.memory_space<vmem>>
    %dma_wait3A_220 = arith.constant 0 : i32
    %dma_wait3A_221 = arith.constant 0 : i32
    %dma_wait3A_222 = tpu.memref_slice %arg2[%dma_wait3A_220, %dma_wait3A_221] : memref<100800x980xf32, #tpu.memory_space<hbm>> -> memref<1x980xf32, #tpu.memory_space<hbm>>
    %dma_wait3A_223 = arith.constant 2 : i32
    %dma_wait3A_224 = arith.constant 0 : i32
    %dma_wait3A_225 = tpu.memref_slice %arg6[%dma_wait3A_223, %dma_wait3A_224] : memref<16x980xf32, #tpu.memory_space<vmem>> -> memref<1x980xf32, #tpu.memory_space<vmem>>
    %dma_wait3A_226 = arith.constant 0 : i32
    %dma_wait3A_227 = arith.constant 0 : i32
    %dma_wait3A_228 = tpu.memref_slice %arg2[%dma_wait3A_226, %dma_wait3A_227] : memref<100800x980xf32, #tpu.memory_space<hbm>> -> memref<1x980xf32, #tpu.memory_space<hbm>>
    tpu.wait_dma2 semaphore(%arg7 : memref<!tpu.dma_semaphore, #tpu.memory_space<semaphore_mem>>) src(%dma_wait3A_228 : memref<1x980xf32, #tpu.memory_space<hbm>>) dst(%dma_wait3A_225 : memref<1x980xf32, #tpu.memory_space<vmem>>)
    %dma_wait3A_229 = arith.constant 3 : i32
    %dma_wait3A_230 = arith.constant 0 : i32
    %dma_wait3A_231 = tpu.memref_slice %arg6[%dma_wait3A_229, %dma_wait3A_230] : memref<16x980xf32, #tpu.memory_space<vmem>> -> memref<1x980xf32, #tpu.memory_space<vmem>>
    %dma_wait3A_232 = arith.constant 0 : i32
    %dma_wait3A_233 = arith.constant 0 : i32
    %dma_wait3A_234 = tpu.memref_slice %arg2[%dma_wait3A_232, %dma_wait3A_233] : memref<100800x980xf32, #tpu.memory_space<hbm>> -> memref<1x980xf32, #tpu.memory_space<hbm>>
    %dma_wait3A_235 = arith.constant 3 : i32
    %dma_wait3A_236 = arith.constant 0 : i32
    %dma_wait3A_237 = tpu.memref_slice %arg6[%dma_wait3A_235, %dma_wait3A_236] : memref<16x980xf32, #tpu.memory_space<vmem>> -> memref<1x980xf32, #tpu.memory_space<vmem>>
    %dma_wait3A_238 = arith.constant 0 : i32
    %dma_wait3A_239 = arith.constant 0 : i32
    %dma_wait3A_240 = tpu.memref_slice %arg2[%dma_wait3A_238, %dma_wait3A_239] : memref<100800x980xf32, #tpu.memory_space<hbm>> -> memref<1x980xf32, #tpu.memory_space<hbm>>
    tpu.wait_dma2 semaphore(%arg7 : memref<!tpu.dma_semaphore, #tpu.memory_space<semaphore_mem>>) src(%dma_wait3A_240 : memref<1x980xf32, #tpu.memory_space<hbm>>) dst(%dma_wait3A_237 : memref<1x980xf32, #tpu.memory_space<vmem>>)
    %dma_wait3A_241 = arith.constant 4 : i32
    %dma_wait3A_242 = arith.constant 0 : i32
    %dma_wait3A_243 = tpu.memref_slice %arg6[%dma_wait3A_241, %dma_wait3A_242] : memref<16x980xf32, #tpu.memory_space<vmem>> -> memref<1x980xf32, #tpu.memory_space<vmem>>
    %dma_wait3A_244 = arith.constant 0 : i32
    %dma_wait3A_245 = arith.constant 0 : i32
    %dma_wait3A_246 = tpu.memref_slice %arg2[%dma_wait3A_244, %dma_wait3A_245] : memref<100800x980xf32, #tpu.memory_space<hbm>> -> memref<1x980xf32, #tpu.memory_space<hbm>>
    %dma_wait3A_247 = arith.constant 4 : i32
    %dma_wait3A_248 = arith.constant 0 : i32
    %dma_wait3A_249 = tpu.memref_slice %arg6[%dma_wait3A_247, %dma_wait3A_248] : memref<16x980xf32, #tpu.memory_space<vmem>> -> memref<1x980xf32, #tpu.memory_space<vmem>>
    %dma_wait3A_250 = arith.constant 0 : i32
    %dma_wait3A_251 = arith.constant 0 : i32
    %dma_wait3A_252 = tpu.memref_slice %arg2[%dma_wait3A_250, %dma_wait3A_251] : memref<100800x980xf32, #tpu.memory_space<hbm>> -> memref<1x980xf32, #tpu.memory_space<hbm>>
    tpu.wait_dma2 semaphore(%arg7 : memref<!tpu.dma_semaphore, #tpu.memory_space<semaphore_mem>>) src(%dma_wait3A_252 : memref<1x980xf32, #tpu.memory_space<hbm>>) dst(%dma_wait3A_249 : memref<1x980xf32, #tpu.memory_space<vmem>>)
    %dma_wait3A_253 = arith.constant 5 : i32
    %dma_wait3A_254 = arith.constant 0 : i32
    %dma_wait3A_255 = tpu.memref_slice %arg6[%dma_wait3A_253, %dma_wait3A_254] : memref<16x980xf32, #tpu.memory_space<vmem>> -> memref<1x980xf32, #tpu.memory_space<vmem>>
    %dma_wait3A_256 = arith.constant 0 : i32
    %dma_wait3A_257 = arith.constant 0 : i32
    %dma_wait3A_258 = tpu.memref_slice %arg2[%dma_wait3A_256, %dma_wait3A_257] : memref<100800x980xf32, #tpu.memory_space<hbm>> -> memref<1x980xf32, #tpu.memory_space<hbm>>
    %dma_wait3A_259 = arith.constant 5 : i32
    %dma_wait3A_260 = arith.constant 0 : i32
    %dma_wait3A_261 = tpu.memref_slice %arg6[%dma_wait3A_259, %dma_wait3A_260] : memref<16x980xf32, #tpu.memory_space<vmem>> -> memref<1x980xf32, #tpu.memory_space<vmem>>
    %dma_wait3A_262 = arith.constant 0 : i32
    %dma_wait3A_263 = arith.constant 0 : i32
    %dma_wait3A_264 = tpu.memref_slice %arg2[%dma_wait3A_262, %dma_wait3A_263] : memref<100800x980xf32, #tpu.memory_space<hbm>> -> memref<1x980xf32, #tpu.memory_space<hbm>>
    tpu.wait_dma2 semaphore(%arg7 : memref<!tpu.dma_semaphore, #tpu.memory_space<semaphore_mem>>) src(%dma_wait3A_264 : memref<1x980xf32, #tpu.memory_space<hbm>>) dst(%dma_wait3A_261 : memref<1x980xf32, #tpu.memory_space<vmem>>)
    %dma_wait3A_265 = arith.constant 6 : i32
    %dma_wait3A_266 = arith.constant 0 : i32
    %dma_wait3A_267 = tpu.memref_slice %arg6[%dma_wait3A_265, %dma_wait3A_266] : memref<16x980xf32, #tpu.memory_space<vmem>> -> memref<1x980xf32, #tpu.memory_space<vmem>>
    %dma_wait3A_268 = arith.constant 0 : i32
    %dma_wait3A_269 = arith.constant 0 : i32
    %dma_wait3A_270 = tpu.memref_slice %arg2[%dma_wait3A_268, %dma_wait3A_269] : memref<100800x980xf32, #tpu.memory_space<hbm>> -> memref<1x980xf32, #tpu.memory_space<hbm>>
    %dma_wait3A_271 = arith.constant 6 : i32
    %dma_wait3A_272 = arith.constant 0 : i32
    %dma_wait3A_273 = tpu.memref_slice %arg6[%dma_wait3A_271, %dma_wait3A_272] : memref<16x980xf32, #tpu.memory_space<vmem>> -> memref<1x980xf32, #tpu.memory_space<vmem>>
    %dma_wait3A_274 = arith.constant 0 : i32
    %dma_wait3A_275 = arith.constant 0 : i32
    %dma_wait3A_276 = tpu.memref_slice %arg2[%dma_wait3A_274, %dma_wait3A_275] : memref<100800x980xf32, #tpu.memory_space<hbm>> -> memref<1x980xf32, #tpu.memory_space<hbm>>
    tpu.wait_dma2 semaphore(%arg7 : memref<!tpu.dma_semaphore, #tpu.memory_space<semaphore_mem>>) src(%dma_wait3A_276 : memref<1x980xf32, #tpu.memory_space<hbm>>) dst(%dma_wait3A_273 : memref<1x980xf32, #tpu.memory_space<vmem>>)
    %dma_wait3A_277 = arith.constant 7 : i32
    %dma_wait3A_278 = arith.constant 0 : i32
    %dma_wait3A_279 = tpu.memref_slice %arg6[%dma_wait3A_277, %dma_wait3A_278] : memref<16x980xf32, #tpu.memory_space<vmem>> -> memref<1x980xf32, #tpu.memory_space<vmem>>
    %dma_wait3A_280 = arith.constant 0 : i32
    %dma_wait3A_281 = arith.constant 0 : i32
    %dma_wait3A_282 = tpu.memref_slice %arg2[%dma_wait3A_280, %dma_wait3A_281] : memref<100800x980xf32, #tpu.memory_space<hbm>> -> memref<1x980xf32, #tpu.memory_space<hbm>>
    %dma_wait3A_283 = arith.constant 7 : i32
    %dma_wait3A_284 = arith.constant 0 : i32
    %dma_wait3A_285 = tpu.memref_slice %arg6[%dma_wait3A_283, %dma_wait3A_284] : memref<16x980xf32, #tpu.memory_space<vmem>> -> memref<1x980xf32, #tpu.memory_space<vmem>>
    %dma_wait3A_286 = arith.constant 0 : i32
    %dma_wait3A_287 = arith.constant 0 : i32
    %dma_wait3A_288 = tpu.memref_slice %arg2[%dma_wait3A_286, %dma_wait3A_287] : memref<100800x980xf32, #tpu.memory_space<hbm>> -> memref<1x980xf32, #tpu.memory_space<hbm>>
    tpu.wait_dma2 semaphore(%arg7 : memref<!tpu.dma_semaphore, #tpu.memory_space<semaphore_mem>>) src(%dma_wait3A_288 : memref<1x980xf32, #tpu.memory_space<hbm>>) dst(%dma_wait3A_285 : memref<1x980xf32, #tpu.memory_space<vmem>>)
    %dma_wait3A_289 = arith.constant 8 : i32
    %dma_wait3A_290 = arith.constant 0 : i32
    %dma_wait3A_291 = tpu.memref_slice %arg6[%dma_wait3A_289, %dma_wait3A_290] : memref<16x980xf32, #tpu.memory_space<vmem>> -> memref<1x980xf32, #tpu.memory_space<vmem>>
    %dma_wait3A_292 = arith.constant 0 : i32
    %dma_wait3A_293 = arith.constant 0 : i32
    %dma_wait3A_294 = tpu.memref_slice %arg2[%dma_wait3A_292, %dma_wait3A_293] : memref<100800x980xf32, #tpu.memory_space<hbm>> -> memref<1x980xf32, #tpu.memory_space<hbm>>
    %dma_wait3A_295 = arith.constant 8 : i32
    %dma_wait3A_296 = arith.constant 0 : i32
    %dma_wait3A_297 = tpu.memref_slice %arg6[%dma_wait3A_295, %dma_wait3A_296] : memref<16x980xf32, #tpu.memory_space<vmem>> -> memref<1x980xf32, #tpu.memory_space<vmem>>
    %dma_wait3A_298 = arith.constant 0 : i32
    %dma_wait3A_299 = arith.constant 0 : i32
    %dma_wait3A_300 = tpu.memref_slice %arg2[%dma_wait3A_298, %dma_wait3A_299] : memref<100800x980xf32, #tpu.memory_space<hbm>> -> memref<1x980xf32, #tpu.memory_space<hbm>>
    tpu.wait_dma2 semaphore(%arg7 : memref<!tpu.dma_semaphore, #tpu.memory_space<semaphore_mem>>) src(%dma_wait3A_300 : memref<1x980xf32, #tpu.memory_space<hbm>>) dst(%dma_wait3A_297 : memref<1x980xf32, #tpu.memory_space<vmem>>)
    %dma_wait3A_301 = arith.constant 9 : i32
    %dma_wait3A_302 = arith.constant 0 : i32
    %dma_wait3A_303 = tpu.memref_slice %arg6[%dma_wait3A_301, %dma_wait3A_302] : memref<16x980xf32, #tpu.memory_space<vmem>> -> memref<1x980xf32, #tpu.memory_space<vmem>>
    %dma_wait3A_304 = arith.constant 0 : i32
    %dma_wait3A_305 = arith.constant 0 : i32
    %dma_wait3A_306 = tpu.memref_slice %arg2[%dma_wait3A_304, %dma_wait3A_305] : memref<100800x980xf32, #tpu.memory_space<hbm>> -> memref<1x980xf32, #tpu.memory_space<hbm>>
    %dma_wait3A_307 = arith.constant 9 : i32
    %dma_wait3A_308 = arith.constant 0 : i32
    %dma_wait3A_309 = tpu.memref_slice %arg6[%dma_wait3A_307, %dma_wait3A_308] : memref<16x980xf32, #tpu.memory_space<vmem>> -> memref<1x980xf32, #tpu.memory_space<vmem>>
    %dma_wait3A_310 = arith.constant 0 : i32
    %dma_wait3A_311 = arith.constant 0 : i32
    %dma_wait3A_312 = tpu.memref_slice %arg2[%dma_wait3A_310, %dma_wait3A_311] : memref<100800x980xf32, #tpu.memory_space<hbm>> -> memref<1x980xf32, #tpu.memory_space<hbm>>
    tpu.wait_dma2 semaphore(%arg7 : memref<!tpu.dma_semaphore, #tpu.memory_space<semaphore_mem>>) src(%dma_wait3A_312 : memref<1x980xf32, #tpu.memory_space<hbm>>) dst(%dma_wait3A_309 : memref<1x980xf32, #tpu.memory_space<vmem>>)
    %dma_wait3A_313 = arith.constant 10 : i32
    %dma_wait3A_314 = arith.constant 0 : i32
    %dma_wait3A_315 = tpu.memref_slice %arg6[%dma_wait3A_313, %dma_wait3A_314] : memref<16x980xf32, #tpu.memory_space<vmem>> -> memref<1x980xf32, #tpu.memory_space<vmem>>
    %dma_wait3A_316 = arith.constant 0 : i32
    %dma_wait3A_317 = arith.constant 0 : i32
    %dma_wait3A_318 = tpu.memref_slice %arg2[%dma_wait3A_316, %dma_wait3A_317] : memref<100800x980xf32, #tpu.memory_space<hbm>> -> memref<1x980xf32, #tpu.memory_space<hbm>>
    %dma_wait3A_319 = arith.constant 10 : i32
    %dma_wait3A_320 = arith.constant 0 : i32
    %dma_wait3A_321 = tpu.memref_slice %arg6[%dma_wait3A_319, %dma_wait3A_320] : memref<16x980xf32, #tpu.memory_space<vmem>> -> memref<1x980xf32, #tpu.memory_space<vmem>>
    %dma_wait3A_322 = arith.constant 0 : i32
    %dma_wait3A_323 = arith.constant 0 : i32
    %dma_wait3A_324 = tpu.memref_slice %arg2[%dma_wait3A_322, %dma_wait3A_323] : memref<100800x980xf32, #tpu.memory_space<hbm>> -> memref<1x980xf32, #tpu.memory_space<hbm>>
    tpu.wait_dma2 semaphore(%arg7 : memref<!tpu.dma_semaphore, #tpu.memory_space<semaphore_mem>>) src(%dma_wait3A_324 : memref<1x980xf32, #tpu.memory_space<hbm>>) dst(%dma_wait3A_321 : memref<1x980xf32, #tpu.memory_space<vmem>>)
    %dma_wait3A_325 = arith.constant 11 : i32
    %dma_wait3A_326 = arith.constant 0 : i32
    %dma_wait3A_327 = tpu.memref_slice %arg6[%dma_wait3A_325, %dma_wait3A_326] : memref<16x980xf32, #tpu.memory_space<vmem>> -> memref<1x980xf32, #tpu.memory_space<vmem>>
    %dma_wait3A_328 = arith.constant 0 : i32
    %dma_wait3A_329 = arith.constant 0 : i32
    %dma_wait3A_330 = tpu.memref_slice %arg2[%dma_wait3A_328, %dma_wait3A_329] : memref<100800x980xf32, #tpu.memory_space<hbm>> -> memref<1x980xf32, #tpu.memory_space<hbm>>
    %dma_wait3A_331 = arith.constant 11 : i32
    %dma_wait3A_332 = arith.constant 0 : i32
    %dma_wait3A_333 = tpu.memref_slice %arg6[%dma_wait3A_331, %dma_wait3A_332] : memref<16x980xf32, #tpu.memory_space<vmem>> -> memref<1x980xf32, #tpu.memory_space<vmem>>
    %dma_wait3A_334 = arith.constant 0 : i32
    %dma_wait3A_335 = arith.constant 0 : i32
    %dma_wait3A_336 = tpu.memref_slice %arg2[%dma_wait3A_334, %dma_wait3A_335] : memref<100800x980xf32, #tpu.memory_space<hbm>> -> memref<1x980xf32, #tpu.memory_space<hbm>>
    tpu.wait_dma2 semaphore(%arg7 : memref<!tpu.dma_semaphore, #tpu.memory_space<semaphore_mem>>) src(%dma_wait3A_336 : memref<1x980xf32, #tpu.memory_space<hbm>>) dst(%dma_wait3A_333 : memref<1x980xf32, #tpu.memory_space<vmem>>)
    %dma_wait3A_337 = arith.constant 12 : i32
    %dma_wait3A_338 = arith.constant 0 : i32
    %dma_wait3A_339 = tpu.memref_slice %arg6[%dma_wait3A_337, %dma_wait3A_338] : memref<16x980xf32, #tpu.memory_space<vmem>> -> memref<1x980xf32, #tpu.memory_space<vmem>>
    %dma_wait3A_340 = arith.constant 0 : i32
    %dma_wait3A_341 = arith.constant 0 : i32
    %dma_wait3A_342 = tpu.memref_slice %arg2[%dma_wait3A_340, %dma_wait3A_341] : memref<100800x980xf32, #tpu.memory_space<hbm>> -> memref<1x980xf32, #tpu.memory_space<hbm>>
    %dma_wait3A_343 = arith.constant 12 : i32
    %dma_wait3A_344 = arith.constant 0 : i32
    %dma_wait3A_345 = tpu.memref_slice %arg6[%dma_wait3A_343, %dma_wait3A_344] : memref<16x980xf32, #tpu.memory_space<vmem>> -> memref<1x980xf32, #tpu.memory_space<vmem>>
    %dma_wait3A_346 = arith.constant 0 : i32
    %dma_wait3A_347 = arith.constant 0 : i32
    %dma_wait3A_348 = tpu.memref_slice %arg2[%dma_wait3A_346, %dma_wait3A_347] : memref<100800x980xf32, #tpu.memory_space<hbm>> -> memref<1x980xf32, #tpu.memory_space<hbm>>
    tpu.wait_dma2 semaphore(%arg7 : memref<!tpu.dma_semaphore, #tpu.memory_space<semaphore_mem>>) src(%dma_wait3A_348 : memref<1x980xf32, #tpu.memory_space<hbm>>) dst(%dma_wait3A_345 : memref<1x980xf32, #tpu.memory_space<vmem>>)
    %dma_wait3A_349 = arith.constant 13 : i32
    %dma_wait3A_350 = arith.constant 0 : i32
    %dma_wait3A_351 = tpu.memref_slice %arg6[%dma_wait3A_349, %dma_wait3A_350] : memref<16x980xf32, #tpu.memory_space<vmem>> -> memref<1x980xf32, #tpu.memory_space<vmem>>
    %dma_wait3A_352 = arith.constant 0 : i32
    %dma_wait3A_353 = arith.constant 0 : i32
    %dma_wait3A_354 = tpu.memref_slice %arg2[%dma_wait3A_352, %dma_wait3A_353] : memref<100800x980xf32, #tpu.memory_space<hbm>> -> memref<1x980xf32, #tpu.memory_space<hbm>>
    %dma_wait3A_355 = arith.constant 13 : i32
    %dma_wait3A_356 = arith.constant 0 : i32
    %dma_wait3A_357 = tpu.memref_slice %arg6[%dma_wait3A_355, %dma_wait3A_356] : memref<16x980xf32, #tpu.memory_space<vmem>> -> memref<1x980xf32, #tpu.memory_space<vmem>>
    %dma_wait3A_358 = arith.constant 0 : i32
    %dma_wait3A_359 = arith.constant 0 : i32
    %dma_wait3A_360 = tpu.memref_slice %arg2[%dma_wait3A_358, %dma_wait3A_359] : memref<100800x980xf32, #tpu.memory_space<hbm>> -> memref<1x980xf32, #tpu.memory_space<hbm>>
    tpu.wait_dma2 semaphore(%arg7 : memref<!tpu.dma_semaphore, #tpu.memory_space<semaphore_mem>>) src(%dma_wait3A_360 : memref<1x980xf32, #tpu.memory_space<hbm>>) dst(%dma_wait3A_357 : memref<1x980xf32, #tpu.memory_space<vmem>>)
    %dma_wait3A_361 = arith.constant 14 : i32
    %dma_wait3A_362 = arith.constant 0 : i32
    %dma_wait3A_363 = tpu.memref_slice %arg6[%dma_wait3A_361, %dma_wait3A_362] : memref<16x980xf32, #tpu.memory_space<vmem>> -> memref<1x980xf32, #tpu.memory_space<vmem>>
    %dma_wait3A_364 = arith.constant 0 : i32
    %dma_wait3A_365 = arith.constant 0 : i32
    %dma_wait3A_366 = tpu.memref_slice %arg2[%dma_wait3A_364, %dma_wait3A_365] : memref<100800x980xf32, #tpu.memory_space<hbm>> -> memref<1x980xf32, #tpu.memory_space<hbm>>
    %dma_wait3A_367 = arith.constant 14 : i32
    %dma_wait3A_368 = arith.constant 0 : i32
    %dma_wait3A_369 = tpu.memref_slice %arg6[%dma_wait3A_367, %dma_wait3A_368] : memref<16x980xf32, #tpu.memory_space<vmem>> -> memref<1x980xf32, #tpu.memory_space<vmem>>
    %dma_wait3A_370 = arith.constant 0 : i32
    %dma_wait3A_371 = arith.constant 0 : i32
    %dma_wait3A_372 = tpu.memref_slice %arg2[%dma_wait3A_370, %dma_wait3A_371] : memref<100800x980xf32, #tpu.memory_space<hbm>> -> memref<1x980xf32, #tpu.memory_space<hbm>>
    tpu.wait_dma2 semaphore(%arg7 : memref<!tpu.dma_semaphore, #tpu.memory_space<semaphore_mem>>) src(%dma_wait3A_372 : memref<1x980xf32, #tpu.memory_space<hbm>>) dst(%dma_wait3A_369 : memref<1x980xf32, #tpu.memory_space<vmem>>)
    %dma_wait3A_373 = arith.constant 15 : i32
    %dma_wait3A_374 = arith.constant 0 : i32
    %dma_wait3A_375 = tpu.memref_slice %arg6[%dma_wait3A_373, %dma_wait3A_374] : memref<16x980xf32, #tpu.memory_space<vmem>> -> memref<1x980xf32, #tpu.memory_space<vmem>>
    %dma_wait3A_376 = arith.constant 0 : i32
    %dma_wait3A_377 = arith.constant 0 : i32
    %dma_wait3A_378 = tpu.memref_slice %arg2[%dma_wait3A_376, %dma_wait3A_377] : memref<100800x980xf32, #tpu.memory_space<hbm>> -> memref<1x980xf32, #tpu.memory_space<hbm>>
    %dma_wait3A_379 = arith.constant 15 : i32
    %dma_wait3A_380 = arith.constant 0 : i32
    %dma_wait3A_381 = tpu.memref_slice %arg6[%dma_wait3A_379, %dma_wait3A_380] : memref<16x980xf32, #tpu.memory_space<vmem>> -> memref<1x980xf32, #tpu.memory_space<vmem>>
    %dma_wait3A_382 = arith.constant 0 : i32
    %dma_wait3A_383 = arith.constant 0 : i32
    %dma_wait3A_384 = tpu.memref_slice %arg2[%dma_wait3A_382, %dma_wait3A_383] : memref<100800x980xf32, #tpu.memory_space<hbm>> -> memref<1x980xf32, #tpu.memory_space<hbm>>
    tpu.wait_dma2 semaphore(%arg7 : memref<!tpu.dma_semaphore, #tpu.memory_space<semaphore_mem>>) src(%dma_wait3A_384 : memref<1x980xf32, #tpu.memory_space<hbm>>) dst(%dma_wait3A_381 : memref<1x980xf32, #tpu.memory_space<vmem>>)
    "tpu.region"() ({
      %run_scoped3A = tpu.sem_alloc : memref<!tpu.dma_semaphore, #tpu.memory_space<semaphore_mem>>
      %dma_start3A_385 = arith.constant 0 : i32
      %dma_start3A_386 = tpu.memref_slice %arg4[%mul3A_2, %dma_start3A_385] : memref<512x980xf32, #tpu.memory_space<hbm>> -> memref<16x980xf32, #tpu.memory_space<hbm>>
      %dma_start3A_387 = arith.constant 0 : i32
      %dma_start3A_388 = tpu.memref_slice %arg4[%mul3A_2, %dma_start3A_387] : memref<512x980xf32, #tpu.memory_space<hbm>> -> memref<16x980xf32, #tpu.memory_space<hbm>>
      tpu.enqueue_dma source(%arg6 : memref<16x980xf32, #tpu.memory_space<vmem>>) target(%dma_start3A_388 : memref<16x980xf32, #tpu.memory_space<hbm>>) target_semaphore(%run_scoped3A : memref<!tpu.dma_semaphore, #tpu.memory_space<semaphore_mem>>)
      %dma_wait3A_389 = arith.constant 0 : i32
      %dma_wait3A_390 = tpu.memref_slice %arg4[%mul3A_2, %dma_wait3A_389] : memref<512x980xf32, #tpu.memory_space<hbm>> -> memref<16x980xf32, #tpu.memory_space<hbm>>
      %dma_wait3A_391 = arith.constant 0 : i32
      %dma_wait3A_392 = tpu.memref_slice %arg4[%mul3A_2, %dma_wait3A_391] : memref<512x980xf32, #tpu.memory_space<hbm>> -> memref<16x980xf32, #tpu.memory_space<hbm>>
      tpu.wait_dma2 semaphore(%run_scoped3A : memref<!tpu.dma_semaphore, #tpu.memory_space<semaphore_mem>>) src(%arg6 : memref<16x980xf32, #tpu.memory_space<vmem>>) dst(%dma_wait3A_392 : memref<16x980xf32, #tpu.memory_space<hbm>>)
      tpu.yield
    }) : () -> ()
    return
  }
}

module attributes {stable_mosaic.version = 14 : i64} {
  func.func @_tc_body(%arg0: i32, %arg1: memref<40x980xf32, #tpu.memory_space<vmem>>, %arg2: memref<40x5x3136xf32, #tpu.memory_space<vmem>>, %arg3: memref<196x3136xf32, #tpu.memory_space<vmem>>, %arg4: memref<40x3136xf32, #tpu.memory_space<vmem>>) attributes {dimension_semantics = [#tpu.dimension_semantics<arbitrary>], iteration_bounds = array<i64: 10>, scalar_prefetch = 0 : i64, scratch_operands = 0 : i64, tpu.core_type = #tpu.core_type<tc>, window_params = [{transform_indices = @transform_0, window_bounds = array<i64: 40, 980>}, {transform_indices = @transform_1, window_bounds = array<i64: 40, 5, 3136>}, {pipeline_mode = #tpu.pipeline_mode<synchronous>, transform_indices = @transform_2, window_bounds = array<i64: 196, 3136>}, {transform_indices = @transform_3, window_bounds = array<i64: 40, 3136>}]} {
    %get3A = arith.constant 0 : index
    %get3A_0 = arith.constant 0 : index
    %get3A_1 = vector.load %arg1[%get3A, %get3A_0] : memref<40x980xf32, #tpu.memory_space<vmem>>, vector<40x980xf32>
    %get3A_2 = arith.constant 0 : index
    %get3A_3 = arith.constant 0 : index
    %get3A_4 = vector.load %arg3[%get3A_2, %get3A_3] : memref<196x3136xf32, #tpu.memory_space<vmem>>, vector<196x3136xf32>
    %slice3A = vector.extract_strided_slice %get3A_1 {offsets = [0, 0], sizes = [40, 196], strides = [1, 1]} : vector<40x980xf32> to vector<40x196xf32>
    %dot_general3A = arith.constant dense<0.000000e+00> : vector<40x3136xf32>
    %dot_general3A_5 = tpu.matmul %slice3A, %get3A_4, %dot_general3A {dimension_numbers = #tpu.dot_dimension_numbers<[1], [0], [0], [1], [0, 0, 1, 1], [], []>, transpose_lhs_hint = false} : vector<40x196xf32>, vector<196x3136xf32>, vector<40x3136xf32> -> vector<40x3136xf32>
    %slice3A_6 = vector.extract_strided_slice %get3A_1 {offsets = [0, 196], sizes = [40, 196], strides = [1, 1]} : vector<40x980xf32> to vector<40x196xf32>
    %dot_general3A_7 = arith.constant dense<0.000000e+00> : vector<40x3136xf32>
    %dot_general3A_8 = tpu.matmul %slice3A_6, %get3A_4, %dot_general3A_7 {dimension_numbers = #tpu.dot_dimension_numbers<[1], [0], [0], [1], [0, 0, 1, 1], [], []>, transpose_lhs_hint = false} : vector<40x196xf32>, vector<196x3136xf32>, vector<40x3136xf32> -> vector<40x3136xf32>
    %slice3A_9 = vector.extract_strided_slice %get3A_1 {offsets = [0, 392], sizes = [40, 196], strides = [1, 1]} : vector<40x980xf32> to vector<40x196xf32>
    %dot_general3A_10 = arith.constant dense<0.000000e+00> : vector<40x3136xf32>
    %dot_general3A_11 = tpu.matmul %slice3A_9, %get3A_4, %dot_general3A_10 {dimension_numbers = #tpu.dot_dimension_numbers<[1], [0], [0], [1], [0, 0, 1, 1], [], []>, transpose_lhs_hint = false} : vector<40x196xf32>, vector<196x3136xf32>, vector<40x3136xf32> -> vector<40x3136xf32>
    %slice3A_12 = vector.extract_strided_slice %get3A_1 {offsets = [0, 588], sizes = [40, 196], strides = [1, 1]} : vector<40x980xf32> to vector<40x196xf32>
    %dot_general3A_13 = arith.constant dense<0.000000e+00> : vector<40x3136xf32>
    %dot_general3A_14 = tpu.matmul %slice3A_12, %get3A_4, %dot_general3A_13 {dimension_numbers = #tpu.dot_dimension_numbers<[1], [0], [0], [1], [0, 0, 1, 1], [], []>, transpose_lhs_hint = false} : vector<40x196xf32>, vector<196x3136xf32>, vector<40x3136xf32> -> vector<40x3136xf32>
    %slice3A_15 = vector.extract_strided_slice %get3A_1 {offsets = [0, 784], sizes = [40, 196], strides = [1, 1]} : vector<40x980xf32> to vector<40x196xf32>
    %dot_general3A_16 = arith.constant dense<0.000000e+00> : vector<40x3136xf32>
    %dot_general3A_17 = tpu.matmul %slice3A_15, %get3A_4, %dot_general3A_16 {dimension_numbers = #tpu.dot_dimension_numbers<[1], [0], [0], [1], [0, 0, 1, 1], [], []>, transpose_lhs_hint = false} : vector<40x196xf32>, vector<196x3136xf32>, vector<40x3136xf32> -> vector<40x3136xf32>
    %max3A = arith.maximumf %dot_general3A_5, %dot_general3A_8 : vector<40x3136xf32>
    %max3A_18 = arith.maximumf %max3A, %dot_general3A_11 : vector<40x3136xf32>
    %max3A_19 = arith.maximumf %max3A_18, %dot_general3A_14 : vector<40x3136xf32>
    %max3A_20 = arith.maximumf %max3A_19, %dot_general3A_17 : vector<40x3136xf32>
    %sub3A = arith.subf %dot_general3A_5, %max3A_20 : vector<40x3136xf32>
    %exp3A = math.exp %sub3A : vector<40x3136xf32>
    %sub3A_21 = arith.subf %dot_general3A_8, %max3A_20 : vector<40x3136xf32>
    %exp3A_22 = math.exp %sub3A_21 : vector<40x3136xf32>
    %sub3A_23 = arith.subf %dot_general3A_11, %max3A_20 : vector<40x3136xf32>
    %exp3A_24 = math.exp %sub3A_23 : vector<40x3136xf32>
    %sub3A_25 = arith.subf %dot_general3A_14, %max3A_20 : vector<40x3136xf32>
    %exp3A_26 = math.exp %sub3A_25 : vector<40x3136xf32>
    %sub3A_27 = arith.subf %dot_general3A_17, %max3A_20 : vector<40x3136xf32>
    %exp3A_28 = math.exp %sub3A_27 : vector<40x3136xf32>
    %add3A = arith.addf %exp3A, %exp3A_22 : vector<40x3136xf32>
    %add3A_29 = arith.addf %add3A, %exp3A_24 : vector<40x3136xf32>
    %add3A_30 = arith.addf %add3A_29, %exp3A_26 : vector<40x3136xf32>
    %add3A_31 = arith.addf %add3A_30, %exp3A_28 : vector<40x3136xf32>
    %get3A_32 = arith.constant 0 : index
    %get3A_33 = arith.constant 0 : index
    %get3A_34 = arith.constant 0 : index
    %get3A_35 = vector.load %arg2[%get3A_32, %get3A_33, %get3A_34] : memref<40x5x3136xf32, #tpu.memory_space<vmem>>, vector<40x1x3136xf32>
    %get3A_36 = vector.shape_cast %get3A_35 : vector<40x1x3136xf32> to vector<40x3136xf32>
    %mul3A = arith.mulf %get3A_36, %exp3A : vector<40x3136xf32>
    %get3A_37 = arith.constant 0 : index
    %get3A_38 = arith.constant 1 : index
    %get3A_39 = arith.constant 0 : index
    %get3A_40 = vector.load %arg2[%get3A_37, %get3A_38, %get3A_39] : memref<40x5x3136xf32, #tpu.memory_space<vmem>>, vector<40x1x3136xf32>
    %get3A_41 = vector.shape_cast %get3A_40 : vector<40x1x3136xf32> to vector<40x3136xf32>
    %mul3A_42 = arith.mulf %get3A_41, %exp3A_22 : vector<40x3136xf32>
    %add3A_43 = arith.addf %mul3A, %mul3A_42 : vector<40x3136xf32>
    %get3A_44 = arith.constant 0 : index
    %get3A_45 = arith.constant 2 : index
    %get3A_46 = arith.constant 0 : index
    %get3A_47 = vector.load %arg2[%get3A_44, %get3A_45, %get3A_46] : memref<40x5x3136xf32, #tpu.memory_space<vmem>>, vector<40x1x3136xf32>
    %get3A_48 = vector.shape_cast %get3A_47 : vector<40x1x3136xf32> to vector<40x3136xf32>
    %mul3A_49 = arith.mulf %get3A_48, %exp3A_24 : vector<40x3136xf32>
    %add3A_50 = arith.addf %add3A_43, %mul3A_49 : vector<40x3136xf32>
    %get3A_51 = arith.constant 0 : index
    %get3A_52 = arith.constant 3 : index
    %get3A_53 = arith.constant 0 : index
    %get3A_54 = vector.load %arg2[%get3A_51, %get3A_52, %get3A_53] : memref<40x5x3136xf32, #tpu.memory_space<vmem>>, vector<40x1x3136xf32>
    %get3A_55 = vector.shape_cast %get3A_54 : vector<40x1x3136xf32> to vector<40x3136xf32>
    %mul3A_56 = arith.mulf %get3A_55, %exp3A_26 : vector<40x3136xf32>
    %add3A_57 = arith.addf %add3A_50, %mul3A_56 : vector<40x3136xf32>
    %get3A_58 = arith.constant 0 : index
    %get3A_59 = arith.constant 4 : index
    %get3A_60 = arith.constant 0 : index
    %get3A_61 = vector.load %arg2[%get3A_58, %get3A_59, %get3A_60] : memref<40x5x3136xf32, #tpu.memory_space<vmem>>, vector<40x1x3136xf32>
    %get3A_62 = vector.shape_cast %get3A_61 : vector<40x1x3136xf32> to vector<40x3136xf32>
    %mul3A_63 = arith.mulf %get3A_62, %exp3A_28 : vector<40x3136xf32>
    %add3A_64 = arith.addf %add3A_57, %mul3A_63 : vector<40x3136xf32>
    %div3A = arith.divf %add3A_64, %add3A_31 : vector<40x3136xf32>
    %logistic3A = arith.negf %div3A : vector<40x3136xf32>
    %logistic3A_65 = math.exp %logistic3A : vector<40x3136xf32>
    %logistic3A_66 = arith.constant 1.000000e+00 : f32
    %logistic3A_67 = vector.broadcast %logistic3A_66 : f32 to vector<40x3136xf32>
    %logistic3A_68 = arith.addf %logistic3A_67, %logistic3A_65 : vector<40x3136xf32>
    %logistic3A_69 = arith.divf %logistic3A_67, %logistic3A_68 : vector<40x3136xf32>
    %swap3A = arith.constant 0 : index
    %swap3A_70 = arith.constant 0 : index
    %swap3A_71 = vector.load %arg4[%swap3A, %swap3A_70] : memref<40x3136xf32, #tpu.memory_space<vmem>>, vector<40x3136xf32>
    tpu.vector_store %arg4[%swap3A, %swap3A_70], %logistic3A_69 {strides = array<i32>} : memref<40x3136xf32, #tpu.memory_space<vmem>>, vector<40x3136xf32>,
    return
  }
  func.func @transform_0(%arg0: i32) -> (i32, i32) {
    %c0_i32 = arith.constant 0 : i32
    %c0_i32_0 = arith.constant 0 : i32
    return %arg0, %c0_i32 : i32, i32
  }
  func.func @transform_1(%arg0: i32) -> (i32, i32, i32) {
    %c0_i32 = arith.constant 0 : i32
    %c0_i32_0 = arith.constant 0 : i32
    %c0_i32_1 = arith.constant 0 : i32
    return %arg0, %c0_i32, %c0_i32_0 : i32, i32, i32
  }
  func.func @transform_2(%arg0: i32) -> (i32, i32) {
    %c0_i32 = arith.constant 0 : i32
    %c0_i32_0 = arith.constant 0 : i32
    %c0_i32_1 = arith.constant 0 : i32
    return %c0_i32, %c0_i32_0 : i32, i32
  }
  func.func @transform_3(%arg0: i32) -> (i32, i32) {
    %c0_i32 = arith.constant 0 : i32
    %c0_i32_0 = arith.constant 0 : i32
    return %arg0, %c0_i32 : i32, i32
  }
}

</mosaic_0001>

<sc_bundles>
// kernel: kernel.4.cloned.1.call-start
scs
__scs_entry_jumppad:
0x0: {  	(pc) =	sbr.rel $0x88, $3  }
0x1: {  	(tag) =	ssettag $0x0;
	lr =	simm.s32 $0x1  }
0x2: {  	[smem:$0x3FA0] =	sst lr;
	_ =	strace $0xD0000000  }
0x3: {  	_ = 	snop  }
0x4: {  	_ = 	snop  }
0x5: {  	_ = 	snop  }
0x6: {  	_ = 	snop  }
0x7: {  	_ = 	snop  }
__scs_overlays_trampoline_lowered:
0x8: {  	[smem:$0x3FAF] =	sst s0  }
0x9: {  	[smem:$0x3FB0] =	sst s1  }
0xa: {  	[smem:$0x3FB1] =	sst s2  }
0xb: {  	[smem:$0x3FB2] =	sst s3  }
0xc: {  	[smem:$0x3FB3] =	sst s4  }
0xd: {  	[smem:$0x3FB4] =	sst s5  }
0xe: {  	[smem:$0x3FB5] =	sst s6  }
0xf: {  	[smem:$0x3FB6] =	sst s7  }
0x10: {  	[smem:$0x3FB7] =	sst s8  }
0x11: {  	[smem:$0x3FB8] =	sst s9;
	s0 =	simm.s32 @!p0 $0x0  }
0x12: {  	s1 =	sld [smem:$0x3F9E];
	s0 =	simm.s32 @p0 $0x1  }
0x13: {  	[smem:$0x3FB9] =	sst s0;
	s0 =	simm.s32 @!p1 $0x0  }
0x14: {  	s2 =	sld [smem:$0x3F9D];
	s0 =	simm.s32 @p1 $0x1  }
0x15: {  	[smem:$0x3FBA] =	sst s0;
	s0 =	simm.s32 @!p2 $0x0  }
0x16: {  	s3 =	sld [smem:$0x3FDB];
	s0 =	simm.s32 @p2 $0x1  }
0x17: {  	s4 =	simm.s32 $0x1BF5;
	[smem:$0x3FBC] =	sst s0  }
0x18: {  	s0 =	sld [smem:$0x3F9F];
	_ =	swait.ge [sflag:s4], $0x0  }
0x19: {  	s7 =	sld [smem:$0x3FA0]  }
0x1a: {  	s8 =	sadd.s32 $0xFFFFE003, lr  }
0x1b: {  	s9 =	sadd.s32 $0xFFFFFEF7, lr;
	s5 =	simm.s32 $0xFFFFFFFF;
	p2 =	slt.u32 s8, $0xFFFFF086  }
0x1c: {  	p1 =	slt.u32 s9, $0xF7A;
	s5 =	simm.s32 @!p2 $0x0  }
0x1d: {  	s5 =	simm.s32 @p1 $0x1;
	p0 =	seq.s32 s7, s2  }
0x1e: {  	s7 =	smul.u32 @!p0 $0xF7A, s2;
	p2 =	seq.s32 @!p0 s5, $0x0  }
0x1f: {  	s9 =	smul.u32 $0xF7A, s1;
	s8 =	simm.s32 @!p0 $0x1BF5;
	p2 =	por !p2, p0  }
0x20: {  	[sflag:s8] =	ssyncset.s32 @!p0 $0xFFFFF086;
	s6 =	sadd.s32 @!p0 s3, s7;
	s7 =	simm.s32 @!p0 $0x108  }
0x21: {  	s3 =	sadd.s32 s3, s9;
	s6 =	sadd.s32 @!p0 $0x88, s6;
	s7 =	simm.s32 @p2 $0x1082  }
0x22: {  	[simem:s7], [sflag:s8] =	dma.local @!p0 [hbm:s6], $0xF7A  }
0x23: {  	s9 =	sor.u32 $0xD0000000, s2;
	s6 =	simm.s32 $0x108;
	_ =	swait.ge @!p0 [sflag:s8], $0x0  }
0x24: {  	s3 =	sadd.s32 $0x88, s3;
	s6 =	simm.s32 @!p1 $0x1082;
	[sflag:s4] =	ssyncset.s32 $0xFFFFF086  }
0x25: {  	[simem:s6], [sflag:s4] =	dma.local [hbm:s3], $0xF7A  }
0x26: {  	[smem:$0x3FA0] =	sst s1;
	(tag) =	ssettag s2;
	_ =	strace s9  }
0x27: {  	s1 =	sld [smem:$0x3FB0]  }
0x28: {  	s2 =	sld [smem:$0x3FB1]  }
0x29: {  	s4 =	sld [smem:$0x3FB3]  }
0x2a: {  	p0 =	seq.s32 s5, $0x0;
	s5 =	sld [smem:$0x3FB4]  }
0x2b: {  	s6 =	sld [smem:$0x3FB5]  }
0x2c: {  	s7 =	sld [smem:$0x3FB6]  }
0x2d: {  	s3 =	simm.s32 $0x108;
	s8 =	sld [smem:$0x3FB7]  }
0x2e: {  	s3 =	simm.s32 @!p0 $0x1082;
	s9 =	sld [smem:$0x3FB8]  }
0x2f: {  	lr =	sadd.s32 s0, s3;
	s0 =	sld [smem:$0x3FAF]  }
0x30: {  	s3 =	sld [smem:$0x3FB2]  }
0x31: {  	[smem:$0x3FBB] =	sst s10  }
0x32: {  	s10 =	sld [smem:$0x3FB9];
	_ =	sdelay $0x3  }
0x33: {  	p0 =	seq.s32 s10, $0x1;
	s10 =	sld [smem:$0x3FBB];
	_ =	sdelay $0x3  }
0x34: {  	[smem:$0x3FBB] =	sst s10  }
0x35: {  	s10 =	sld [smem:$0x3FBA];
	_ =	sdelay $0x3  }
0x36: {  	p1 =	seq.s32 s10, $0x1;
	s10 =	sld [smem:$0x3FBB];
	_ =	sdelay $0x3  }
0x37: {  	[smem:$0x3FBB] =	sst s10  }
0x38: {  	s10 =	sld [smem:$0x3FBC]  }
0x39: {  	_ = 	snop;
	(pc) =	sbr.ind lr, $3  }
0x3a: {  	_ = 	snop  }
0x3b: {  	_ = 	snop  }
0x3c: {  	p2 =	seq.s32 s10, $0x1;
	s10 =	sld [smem:$0x3FBB]  }
0x3d: {  	_ =	shalt  }
0x3e: {  	_ =	shalt  }
0x3f: {  	_ =	shalt  }
0x40: {  	_ =	shalt  }
0x41: {  	_ =	shalt  }
0x42: {  	_ =	shalt  }
0x43: {  	_ =	shalt  }
0x44: {  	_ =	shalt  }
0x45: {  	_ =	shalt  }
0x46: {  	_ =	shalt  }
0x47: {  	_ =	shalt  }
0x48: {  	_ =	shalt  }
0x49: {  	_ =	shalt  }
0x4a: {  	_ =	shalt  }
0x4b: {  	_ =	shalt  }
0x4c: {  	_ =	shalt  }
0x4d: {  	_ =	shalt  }
0x4e: {  	_ =	shalt  }
0x4f: {  	_ =	shalt  }
0x50: {  	_ =	shalt  }
0x51: {  	_ =	shalt  }
0x52: {  	_ =	shalt  }
0x53: {  	_ =	shalt  }
0x54: {  	_ =	shalt  }
0x55: {  	_ =	shalt  }
0x56: {  	_ =	shalt  }
0x57: {  	_ =	shalt  }
0x58: {  	_ =	shalt  }
0x59: {  	_ =	shalt  }
0x5a: {  	_ =	shalt  }
0x5b: {  	_ =	shalt  }
0x5c: {  	_ =	shalt  }
0x5d: {  	_ =	shalt  }
0x5e: {  	_ =	shalt  }
0x5f: {  	_ =	shalt  }
0x60: {  	_ =	shalt  }
0x61: {  	_ =	shalt  }
0x62: {  	_ =	shalt  }
0x63: {  	_ =	shalt  }
0x64: {  	_ =	shalt  }
0x65: {  	_ =	shalt  }
0x66: {  	_ =	shalt  }
0x67: {  	_ =	shalt  }
0x68: {  	_ =	shalt  }
0x69: {  	_ =	shalt  }
0x6a: {  	_ =	shalt  }
0x6b: {  	_ =	shalt  }
0x6c: {  	_ =	shalt  }
0x6d: {  	_ =	shalt  }
0x6e: {  	_ =	shalt  }
0x6f: {  	_ =	shalt  }
0x70: {  	_ =	shalt  }
0x71: {  	_ =	shalt  }
0x72: {  	_ =	shalt  }
0x73: {  	_ =	shalt  }
0x74: {  	_ =	shalt  }
0x75: {  	_ =	shalt  }
0x76: {  	_ =	shalt  }
0x77: {  	_ =	shalt  }
0x78: {  	_ =	shalt  }
0x79: {  	_ =	shalt  }
0x7a: {  	_ =	shalt  }
0x7b: {  	_ =	shalt  }
0x7c: {  	_ =	shalt  }
0x7d: {  	_ =	shalt  }
0x7e: {  	_ =	shalt  }
0x7f: {  	_ =	shalt  }
0x80: {  	_ =	shalt  }
0x81: {  	_ =	shalt  }
0x82: {  	_ =	shalt  }
0x83: {  	_ =	shalt  }
0x84: {  	_ =	shalt  }
0x85: {  	_ =	shalt  }
0x86: {  	_ =	shalt  }
0x87: {  	_ =	shalt  }
.Lfunc_end0:
.L_simem_size_0:
called_computation_lowered:
.L_overlay_start_0:
0x88: {  	s2 =	sld [smem:$0x3FD9]  }
0x89: {  	s3 =	sld [smem:$0x3FFE];
	_ =	sdelay $0x1  }
0x8a: {  	s1 =	srdreg.scid  }
0x8b: {  	s0 =	sand.u32 $0x1, s1  }
0x8c: {  	s14 =	sshll.u32 s0, $0xA;
	s2 =	sadd.s32 s3, s2  }
0x8d: {  	s2 =	sadd.s32 s2, s14  }
0x8e: {  	[smem:$0x3FC7] =	sst s2  }
0x8f: {  	_ = 	snop  }
0x90: {  	s2 =	sld [smem:$0x3FD0];
	_ =	sdelay $0x2  }
0x91: {  	s15 =	simm.s32 $0xA;
	s4 =	simm.s32 $0x10  }
0x92: {  	[smem:s4], [sflag:s15] =	dma.local [hbm:s2], $0x1  }
0x93: {  	_ =	swait.eq [sflag:s15], $0x1  }
0x94: {  	[sflag:s15] =	ssyncset.done $0x0  }
0x95: {  	s16 =	sld [smem:$0x13];
	[sflag:s15] =	ssyncadd.s32 $0xFFFFFFFF  }
0x96: {  	s17 =	sld [smem:$0x14];
	(tm) =	ssettm $0x1  }
0x97: {  	s18 =	sld [smem:$0x3FFB];
	_ =	sdelay $0x3  }
0x98: {  	_ =	strace s18  }
0x99: {  	s4 =	sld [smem:$0x3FFC];
	_ =	sdelay $0x3  }
0x9a: {  	_ =	strace s4  }
0x9b: {  	s4 =	sld [smem:$0x3FFD];
	_ =	sdelay $0x3  }
0x9c: {  	_ =	strace s4  }
0x9d: {  	_ =	strace $0x8FFFFFFF  }
0x9e: {  	s19 =	sld [smem:$0x3FDB];
	_ =	sdelay $0x1  }
0x9f: {  	s5 =	simm.s32 $_scs_section_size  }
0xa0: {  	s6 =	simm.s32 $_size__tile_overlayer_lowered;
	s7 =	simm.s32 $_tile_overlayer_lowered  }
0xa1: {  	s22 =	simm.s32 $0x1BFF;
	s21 =	sshll.u32 s7, $0x1;
	s4 =	sadd.s32 s5, s19  }
0xa2: {  	s8 =	simm.s32 $0x0;
	s20 =	sshll.u32 s6, $0x1;
	s6 =	sadd.s32 s21, s4  }
0xa3: {  	[timem:s8], [sflag:s22] =	dma.local [hbm:s6], s20  }
0xa4: {  	_ =	swait.ge [sflag:s22], s20  }
0xa5: {  	s5 =	ssub.s32 $0x0, s20;
	[sflag:s22] =	ssyncset.done $0x0  }
0xa6: {  	[sflag:s22] =	ssyncadd.s32 s5;
	_ =	sdelay $0x1  }
0xa7: {  	s23 =	simm.s32 $0x1B8B  }
0xa8: {  	_ =	swait.ge [sflag:s23], $0x1  }
0xa9: {  	[sflag:s23] =	ssyncset.done $0x0  }
0xaa: {  	s25 =	simm.s32 $0x1B8E;
	s24 =	sld [smem:$0x3FFE];
	[sflag:s23] =	ssyncadd.s32 $0xFFFFFFFF  }
0xab: {  	s26 =	simm.s32 $execute0_lowered;
	[smem:$0x3FD2] =	sst s25  }
0xac: {  	s6 =	sshll.u32 s26, $0x1;
	_ =	strace $0x80000046;
	[dreg:$0x1] =	wrdreg $0xFFFFFFFF  }
0xad: {  	s28 =	simm.s32 $_size_execute0_lowered;
	s4 =	sadd.s32 s4, s6;
	[dreg:$0x0] =	wrdreg $0x0  }
0xae: {  	s6 =	sshll.u32 s28, $0x1;
	[dreg:$0x2] =	wrdreg s4  }
0xaf: {  	[dreg:$0x3] =	wrdreg s6  }
0xb0: {  	[dreg:$0x4] =	wrdreg $0xC0  }
0xb1: {  	_ =	task [dreg:s8], $0x5FFFF  }
0xb2: {  	[dreg:$0x1] =	wrdreg $0xFFFFFFFF  }
0xb3: {  	[dreg:$0x0] =	wrdreg $0x60  }
0xb4: {  	[dreg:$0x2] =	wrdreg s24  }
0xb5: {  	[dreg:$0x3] =	wrdreg s16  }
0xb6: {  	[dreg:$0x4] =	wrdreg s17  }
0xb7: {  	[dreg:$0x5] =	wrdreg $0x9  }
0xb8: {  	_ =	task.clear_ibuf [dreg:s8], $0x6FFFF;
	_ =	strace $0x90000046  }
0xb9: {  	s29 =	simm.s32 $0x9;
	_ =	strace $0x80000048  }
0xba: {  	_ =	swait.ge [sflag:s29], $0x1  }
0xbb: {  	[sflag:s29] =	ssyncadd.s32 $0xFFFFFFFF  }
0xbc: {  	_ =	strace $0x90000048  }
0xbd: {  	_ =	sfence  }
0xbe: {  	s30 =	sld [smem:$0x0];
	_ =	sdelay $0x2  }
0xbf: {  	s31 =	sshll.u32 s1, $0xD;
	s1 =	sshrl.u32 s1, $0x2  }
0xc0: {  	s3 =	sand.u32 $0x4000, s31;
	s1 =	sadd.s32 s1, s30  }
0xc1: {  	s0 =	sor.u32 s3, s0;
	s1 =	sshll.u32 s1, $0x11  }
0xc2: {  	s0 =	sor.u32 s1, s0  }
0xc3: {  	s0 =	sadd.s32 $0x8F2B, s0  }
0xc4: {  	[sflag:s0] =	ssyncadd.remote.s32 $0x1  }
0xc5: {  	_ =	sfence.sel $0xFFFF  }
0xc6: {  	[dreg:$0x0] =	wrdreg $0xFFFFFFFF;
	(pc) =	sbr.abs _section_cstart, $3  }
0xc7: {  	[dreg:$0x1] =	wrdreg $0xFFFFFFFF  }
0xc8: {  	_ =	task.clear_ibuf [dreg:s8], $0x2FFFF;
	_ =	strace $0x9FFFFFFF  }
0xc9: {  	(tm) =	ssettm $0x7FFFFFFF  }
tec
execute0_lowered:
.L_overlay_start_1:
0x0: {  	(tag) =	ssettag $0x1  }
0x1: {  	s3 =	rddreg [dreg:$0x0]  }
0x2: {  	s5 =	rddreg [dreg:$0x1]  }
0x3: {  	s1 =	srdreg.scid;
	s6 =	rddreg [dreg:$0x2]  }
0x4: {  	s2 =	simm.s32 $0x0;
	s4 =	sand.u32 $0x1, s1;
	s1 =	rddreg [dreg:$0x3]  }
0x5: {  	s29 =	simm.s32 $0x480;
	[smem:$0x7FF] =	sst s2  }
0x6: {  	s30 =	simm.s32 $0x880;
	_ =	strace $0x80000047;
	[dreg:$0x6] =	wrdreg s29  }
0x7: {  	s31 =	simm.s32 $0xC80;
	[dreg:$0x7] =	wrdreg s30  }
0x8: {  	s9 =	simm.s32 $0x1C80;
	[dreg:$0x8] =	wrdreg s31  }
0x9: {  	s10 =	simm.s32 $0x100;
	[dreg:$0xc] =	wrdreg s9  }
0xa: {  	s11 =	simm.s32 $0x500;
	[dreg:$0xd] =	wrdreg s10  }
0xb: {  	s12 =	simm.s32 $0x900;
	[dreg:$0xe] =	wrdreg s11  }
0xc: {  	s13 =	simm.s32 $0xD00;
	[dreg:$0xf] =	wrdreg s12  }
0xd: {  	s14 =	simm.s32 $0x1100;
	[dreg:$0x10] =	wrdreg s13  }
0xe: {  	s15 =	simm.s32 $0x1500;
	[dreg:$0x11] =	wrdreg s14  }
0xf: {  	s16 =	simm.s32 $0x1900;
	[dreg:$0x12] =	wrdreg s15  }
0x10: {  	s17 =	simm.s32 $0x1D00;
	[dreg:$0x13] =	wrdreg s16  }
0x11: {  	s18 =	simm.s32 $0x180;
	[dreg:$0x14] =	wrdreg s17  }
0x12: {  	s19 =	simm.s32 $0x580;
	[dreg:$0x15] =	wrdreg s18  }
0x13: {  	s20 =	simm.s32 $0x980;
	[dreg:$0x16] =	wrdreg s19  }
0x14: {  	s21 =	simm.s32 $0xD80;
	[dreg:$0x17] =	wrdreg s20  }
0x15: {  	s22 =	simm.s32 $0x1180;
	[dreg:$0x18] =	wrdreg s21  }
0x16: {  	s23 =	simm.s32 $0x1580;
	[dreg:$0x19] =	wrdreg s22  }
0x17: {  	s24 =	simm.s32 $0x1980;
	[dreg:$0x1a] =	wrdreg s23  }
0x18: {  	s25 =	simm.s32 $0x1D80;
	[dreg:$0x1b] =	wrdreg s24  }
0x19: {  	s26 =	simm.s32 $0x200;
	[dreg:$0x1c] =	wrdreg s25  }
0x1a: {  	[dreg:$0x1d] =	wrdreg s26;
	s29 =	simm.s32 $0xA00  }
0x1b: {  	s30 =	simm.s32 $0xE00;
	[dreg:$0x1f] =	wrdreg s29  }
0x1c: {  	s31 =	simm.s32 $0x1200;
	[smem:$0x799] =	sst s30  }
0x1d: {  	s9 =	simm.s32 $0x280;
	[smem:$0x79A] =	sst s31  }
0x1e: {  	s10 =	simm.s32 $0x680;
	[smem:$0x79E] =	sst s9  }
0x1f: {  	s11 =	simm.s32 $0xA80;
	[smem:$0x79F] =	sst s10  }
0x20: {  	s12 =	simm.s32 $0xE80;
	[smem:$0x7A0] =	sst s11  }
0x21: {  	s13 =	simm.s32 $0x1280;
	[smem:$0x7A1] =	sst s12  }
0x22: {  	s14 =	simm.s32 $0x1680;
	[smem:$0x7A2] =	sst s13  }
0x23: {  	s15 =	simm.s32 $0x1A80;
	[smem:$0x7A3] =	sst s14  }
0x24: {  	s16 =	simm.s32 $0x1E80;
	[smem:$0x7A4] =	sst s15  }
0x25: {  	s17 =	simm.s32 $0x300;
	[smem:$0x7A5] =	sst s16  }
0x26: {  	s18 =	simm.s32 $0x700;
	[smem:$0x7A6] =	sst s17  }
0x27: {  	s19 =	simm.s32 $0xB00;
	[smem:$0x7A7] =	sst s18  }
0x28: {  	s20 =	simm.s32 $0xF00;
	[smem:$0x7A8] =	sst s19  }
0x29: {  	s21 =	simm.s32 $0x1300;
	[smem:$0x7A9] =	sst s20  }
0x2a: {  	s22 =	simm.s32 $0x1700;
	[smem:$0x7AA] =	sst s21  }
0x2b: {  	s23 =	simm.s32 $0x1B00;
	[smem:$0x7AB] =	sst s22  }
0x2c: {  	s24 =	simm.s32 $0x1F00;
	[smem:$0x7AC] =	sst s23  }
0x2d: {  	s25 =	simm.s32 $0x380;
	[smem:$0x7AD] =	sst s24  }
0x2e: {  	s26 =	simm.s32 $0x780;
	[smem:$0x7AE] =	sst s25  }
0x2f: {  	[smem:$0x7AF] =	sst s26;
	s29 =	simm.s32 $0xF80  }
0x30: {  	s30 =	simm.s32 $0x1380;
	[smem:$0x7B1] =	sst s29  }
0x31: {  	s31 =	simm.s32 $0x1780;
	[smem:$0x7B2] =	sst s30  }
0x32: {  	s9 =	simm.s32 $0x800;
	[smem:$0x7B3] =	sst s31  }
0x33: {  	s10 =	simm.s32 $0xC00;
	[smem:$0x7B7] =	sst s9  }
0x34: {  	s11 =	simm.s32 $0x1000;
	[smem:$0x7B8] =	sst s10  }
0x35: {  	s12 =	simm.s32 $0x1400;
	[smem:$0x7B9] =	sst s11  }
0x36: {  	s13 =	simm.s32 $0x1800;
	[smem:$0x7BA] =	sst s12  }
0x37: {  	s14 =	simm.s32 $0x1C00;
	[smem:$0x7BB] =	sst s13  }
0x38: {  	s15 =	simm.s32 $0x2000;
	[smem:$0x7BC] =	sst s14  }
0x39: {  	s16 =	simm.s32 $0x2080;
	[smem:$0x7BD] =	sst s15  }
0x3a: {  	s17 =	simm.s32 $0x2480;
	[smem:$0x7BE] =	sst s16  }
0x3b: {  	s18 =	simm.s32 $0x2880;
	[smem:$0x7BF] =	sst s17  }
0x3c: {  	s19 =	simm.s32 $0x2C80;
	[smem:$0x7C0] =	sst s18  }
0x3d: {  	s20 =	simm.s32 $0x3080;
	[smem:$0x7C1] =	sst s19  }
0x3e: {  	s21 =	simm.s32 $0x3480;
	[smem:$0x7C2] =	sst s20  }
0x3f: {  	s22 =	simm.s32 $0x3880;
	[smem:$0x7C3] =	sst s21  }
0x40: {  	s23 =	simm.s32 $0x3C80;
	[smem:$0x7C4] =	sst s22  }
0x41: {  	s24 =	simm.s32 $0x2100;
	[smem:$0x7C5] =	sst s23  }
0x42: {  	s25 =	simm.s32 $0x2500;
	[smem:$0x7C6] =	sst s24  }
0x43: {  	s26 =	simm.s32 $0x2900;
	[smem:$0x7C7] =	sst s25  }
0x44: {  	[smem:$0x7C8] =	sst s26;
	s29 =	simm.s32 $0x3100  }
0x45: {  	s30 =	simm.s32 $0x3500;
	[smem:$0x7CA] =	sst s29  }
0x46: {  	s31 =	simm.s32 $0x3900;
	[smem:$0x7CB] =	sst s30  }
0x47: {  	s9 =	simm.s32 $0x2980;
	[smem:$0x7CC] =	sst s31  }
0x48: {  	s10 =	simm.s32 $0x2D80;
	[smem:$0x7D0] =	sst s9  }
0x49: {  	s11 =	simm.s32 $0x3180;
	[smem:$0x7D1] =	sst s10  }
0x4a: {  	s12 =	simm.s32 $0x3580;
	[smem:$0x7D2] =	sst s11  }
0x4b: {  	s13 =	simm.s32 $0x3980;
	[smem:$0x7D3] =	sst s12  }
0x4c: {  	s14 =	simm.s32 $0x3D80;
	[smem:$0x7D4] =	sst s13  }
0x4d: {  	s15 =	simm.s32 $0x2200;
	[smem:$0x7D5] =	sst s14  }
0x4e: {  	s16 =	simm.s32 $0x2600;
	[smem:$0x7D6] =	sst s15  }
0x4f: {  	s17 =	simm.s32 $0x2A00;
	[smem:$0x7D7] =	sst s16  }
0x50: {  	s18 =	simm.s32 $0x2E00;
	[smem:$0x7D8] =	sst s17  }
0x51: {  	s19 =	simm.s32 $0x3200;
	[smem:$0x7D9] =	sst s18  }
0x52: {  	s20 =	simm.s32 $0x3600;
	[smem:$0x7DA] =	sst s19  }
0x53: {  	s21 =	simm.s32 $0x3A00;
	[smem:$0x7DB] =	sst s20  }
0x54: {  	s0 =	stileid.u32;
	s22 =	simm.s32 $0x3E00;
	[smem:$0x7DC] =	sst s21  }
0x55: {  	s7 =	sshll.u32 s0, $0x5;
	s23 =	simm.s32 $0x2280;
	[smem:$0x7DD] =	sst s22  }
0x56: {  	s8 =	sshll.u32 s4, $0x4;
	s24 =	simm.s32 $0x2680;
	[smem:$0x7DE] =	sst s23  }
0x57: {  	s7 =	sor.u32 s8, s7;
	s25 =	simm.s32 $0x2A80;
	[smem:$0x7DF] =	sst s24  }
0x58: {  	s8 =	sshrl.u32 s7, $0x3;
	s26 =	simm.s32 $0x2E80;
	[smem:$0x7E0] =	sst s25  }
0x59: {  	s7 =	sshll.u32 s7, $0x7;
	s5 =	sadd.s32 s5, s8;
	[smem:$0x7E1] =	sst s26  }
0x5a: {  	s28 =	sadd.s32 s6, s7;
	[dreg:$0x4] =	wrdreg s5  }
0x5b: {  	s6 =	simm.s32 $0x1080;
	[dreg:$0x5] =	wrdreg s28  }
0x5c: {  	s7 =	simm.s32 $0x1480;
	[dreg:$0x9] =	wrdreg s6  }
0x5d: {  	s8 =	simm.s32 $0x1880;
	[dreg:$0xa] =	wrdreg s7  }
0x5e: {  	s29 =	simm.s32 $0x3680;
	[dreg:$0xb] =	wrdreg s8  }
0x5f: {  	s30 =	simm.s32 $0x3A80;
	[smem:$0x7E3] =	sst s29  }
0x60: {  	s31 =	simm.s32 $0x3E80;
	[smem:$0x7E4] =	sst s30  }
0x61: {  	s9 =	simm.s32 $0x2F00;
	[smem:$0x7E5] =	sst s31  }
0x62: {  	s10 =	simm.s32 $0x3300;
	[smem:$0x7E9] =	sst s9  }
0x63: {  	s11 =	simm.s32 $0x3700;
	[smem:$0x7EA] =	sst s10  }
0x64: {  	s12 =	simm.s32 $0x3B00;
	[smem:$0x7EB] =	sst s11  }
0x65: {  	s13 =	simm.s32 $0x3F00;
	[smem:$0x7EC] =	sst s12  }
0x66: {  	s14 =	simm.s32 $0x2380;
	[smem:$0x7ED] =	sst s13  }
0x67: {  	s15 =	simm.s32 $0x2780;
	[smem:$0x7EE] =	sst s14  }
0x68: {  	s16 =	simm.s32 $0x2B80;
	[smem:$0x7EF] =	sst s15  }
0x69: {  	s17 =	simm.s32 $0x2F80;
	[smem:$0x7F0] =	sst s16  }
0x6a: {  	s18 =	simm.s32 $0x3380;
	[smem:$0x7F1] =	sst s17  }
0x6b: {  	s19 =	simm.s32 $0x3780;
	[smem:$0x7F2] =	sst s18  }
0x6c: {  	s20 =	simm.s32 $0x3B80;
	[smem:$0x7F3] =	sst s19  }
0x6d: {  	s21 =	simm.s32 $0x3F80;
	[smem:$0x7F4] =	sst s20  }
0x6e: {  	s22 =	simm.s32 $0x2400;
	[smem:$0x7F5] =	sst s21  }
0x6f: {  	s23 =	simm.s32 $0x2800;
	[smem:$0x7F6] =	sst s22  }
0x70: {  	s24 =	simm.s32 $0x2C00;
	[smem:$0x7F7] =	sst s23  }
0x71: {  	s25 =	simm.s32 $0x3000;
	[smem:$0x7F8] =	sst s24  }
0x72: {  	s28 =	simm.s32 $0x600;
	[smem:$0x7F9] =	sst s25  }
0x73: {  	s6 =	simm.s32 $0x1600;
	[dreg:$0x1e] =	wrdreg s28  }
0x74: {  	s7 =	simm.s32 $0x1A00;
	[smem:$0x79B] =	sst s6  }
0x75: {  	s8 =	simm.s32 $0x1E00;
	[smem:$0x79C] =	sst s7  }
0x76: {  	s29 =	simm.s32 $0x3800;
	[smem:$0x79D] =	sst s8  }
0x77: {  	s30 =	simm.s32 $0x3C00;
	[smem:$0x7FB] =	sst s29  }
0x78: {  	s31 =	simm.s32 $0x4000;
	[smem:$0x7FC] =	sst s30  }
0x79: {  	s28 =	simm.s32 $0xB80;
	[smem:$0x7FD] =	sst s31  }
0x7a: {  	s6 =	simm.s32 $0x1B80;
	[smem:$0x7B0] =	sst s28  }
0x7b: {  	s7 =	simm.s32 $0x1F80;
	[smem:$0x7B4] =	sst s6  }
0x7c: {  	s8 =	simm.s32 $0x400;
	[smem:$0x7B5] =	sst s7  }
0x7d: {  	[smem:$0x7B6] =	sst s8;
	s28 =	simm.s32 $0x2D00  }
0x7e: {  	s6 =	simm.s32 $0x3D00;
	[smem:$0x7C9] =	sst s28  }
0x7f: {  	s7 =	simm.s32 $0x2180;
	[smem:$0x7CD] =	sst s6  }
0x80: {  	s3 =	sadd.s32 $0x1200, s3;
	s8 =	simm.s32 $0x2580;
	[smem:$0x7CE] =	sst s7  }
0x81: {  	s4 =	ssub.s32 $0x2, s4;
	[smem:$0x7CF] =	sst s8;
	s28 =	simm.s32 $0x3280  }
0x82: {  	s26 =	sshrl.u32 s4, $0x1;
	s6 =	simm.s32 $0x2300;
	[smem:$0x7E2] =	sst s28  }
0x83: {  	s4 =	ssub.s32 s4, s26;
	s7 =	simm.s32 $0x2700;
	[smem:$0x7E6] =	sst s6  }
0x84: {  	s5 =	simm.s32 $0x2;
	s8 =	simm.s32 $0x2B00;
	[smem:$0x7E7] =	sst s7  }
0x85: {  	s4 =	smax.u32 s4, $0x1;
	[smem:$0x7E8] =	sst s8;
	s28 =	simm.s32 $0x3400  }
0x86: {  	s6 =	simm.s32 $0x80;
	s7 =	simm.s32 $0x1;
	[smem:$0x7FA] =	sst s28  }
.LBB2_1:
0x87: {  	s8 =	rddreg [dreg:$0x4]  }
0x88: {  	[tilespmem:s2], [sflag:$0x2] =	stream.linear.gather [hbm4b:s8+s2], $0x10, $0x38;
	[tilespmem:$0x4080] =	vst v63  }
0x89: {  	_ =	swait.ge [sflag:s5], $0x10  }
0x8a: {  	[sflag:s5] =	ssyncset.done $0x0  }
0x8b: {  	[sflag:s5] =	ssyncadd.s32 $0xFFFFFFF0  }
0x8c: {  	v0 =	vld [tilespmem:$0x0];
	_ =	sdelay $0x4  }
0x8d: {  	(v2sf) =	vpush v0, $0x0;
	_ =	sdelay $0xe  }
0x8e: {  	s19 =	spop (v2sf)  }
0x8f: {  	s9 =	sshll.u32 s19, $0xA;
	s8 =	sshll.u32 s19, $0x7  }
0x90: {  	s9 =	sand.u32 $0xFFFFE000, s9;
	s8 =	sand.u32 $0x380, s8  }
0x91: {  	s8 =	sor.u32 s8, s9  }
0x92: {  	(v2sf) =	vpush v0, $0x1;
	s8 =	sshrl.u32 s8, $0x3  }
0x93: {  	s8 =	sadd.s32 s3, s8  }
0x94: {  	[tilespmem:s6], [sflag:$0x1] =	stream.linear.gather [hbm4b:s8+s2], $0x80, $0x38;
	[tilespmem:$0x4080] =	vst v63  }
0x95: {  	s20 =	rddreg [dreg:$0x6];
	s10 =	sadd.s32 $0x80, s8  }
0x96: {  	[tilespmem:s20], [sflag:$0x1] =	stream.linear.gather [hbm4b:s10+s2], $0x80, $0x38;
	[tilespmem:$0x4080] =	vst v63  }
0x97: {  	s11 =	rddreg [dreg:$0x7];
	s21 =	sadd.s32 $0x100, s8  }
0x98: {  	[tilespmem:s11], [sflag:$0x1] =	stream.linear.gather [hbm4b:s21+s2], $0x80, $0x38;
	[tilespmem:$0x4080] =	vst v63  }
0x99: {  	s22 =	rddreg [dreg:$0x8];
	s23 =	sadd.s32 $0x180, s8  }
0x9a: {  	[tilespmem:s22], [sflag:$0x1] =	stream.linear.gather [hbm4b:s23+s2], $0x80, $0x38;
	[tilespmem:$0x4080] =	vst v63  }
0x9b: {  	s24 =	rddreg [dreg:$0x9];
	s25 =	sadd.s32 $0x200, s8  }
0x9c: {  	[tilespmem:s24], [sflag:$0x1] =	stream.linear.gather [hbm4b:s25+s2], $0x80, $0x38;
	[tilespmem:$0x4080] =	vst v63  }
0x9d: {  	s26 =	rddreg [dreg:$0xa];
	s28 =	sadd.s32 $0x280, s8  }
0x9e: {  	[tilespmem:s26], [sflag:$0x1] =	stream.linear.gather [hbm4b:s28+s2], $0x80, $0x38;
	[tilespmem:$0x4080] =	vst v63  }
0x9f: {  	s29 =	rddreg [dreg:$0xb];
	s30 =	sadd.s32 $0x300, s8  }
0xa0: {  	[tilespmem:s29], [sflag:$0x1] =	stream.linear.gather [hbm4b:s30+s2], $0x80, $0x38;
	[tilespmem:$0x4080] =	vst v63  }
0xa1: {  	s31 =	rddreg [dreg:$0xc];
	s8 =	sadd.s32 $0x380, s8;
	s11 =	spop (v2sf)  }
0xa2: {  	[tilespmem:s31], [sflag:$0x1] =	stream.linear.gather [hbm4b:s8+s2], $0x80, $0x38;
	[tilespmem:$0x4080] =	vst v63  }
0xa3: {  	s12 =	sshll.u32 s11, $0xA;
	s8 =	sshll.u32 s11, $0x7  }
0xa4: {  	s9 =	sand.u32 $0xFFFFE000, s12;
	s8 =	sand.u32 $0x380, s8  }
0xa5: {  	s8 =	sor.u32 s8, s9  }
0xa6: {  	(v2sf) =	vpush v0, $0x2;
	s8 =	sshrl.u32 s8, $0x3  }
0xa7: {  	s13 =	rddreg [dreg:$0xd];
	s8 =	sadd.s32 s3, s8  }
0xa8: {  	[tilespmem:s13], [sflag:$0x1] =	stream.linear.gather [hbm4b:s8+s2], $0x80, $0x38;
	[tilespmem:$0x4080] =	vst v63  }
0xa9: {  	s14 =	rddreg [dreg:$0xe];
	s15 =	sadd.s32 $0x80, s8  }
0xaa: {  	[tilespmem:s14], [sflag:$0x1] =	stream.linear.gather [hbm4b:s15+s2], $0x80, $0x38;
	[tilespmem:$0x4080] =	vst v63  }
0xab: {  	s16 =	rddreg [dreg:$0xf];
	s17 =	sadd.s32 $0x100, s8  }
0xac: {  	[tilespmem:s16], [sflag:$0x1] =	stream.linear.gather [hbm4b:s17+s2], $0x80, $0x38;
	[tilespmem:$0x4080] =	vst v63  }
0xad: {  	s18 =	rddreg [dreg:$0x10];
	s19 =	sadd.s32 $0x180, s8  }
0xae: {  	[tilespmem:s18], [sflag:$0x1] =	stream.linear.gather [hbm4b:s19+s2], $0x80, $0x38;
	[tilespmem:$0x4080] =	vst v63  }
0xaf: {  	s20 =	rddreg [dreg:$0x11];
	s21 =	sadd.s32 $0x200, s8  }
0xb0: {  	[tilespmem:s20], [sflag:$0x1] =	stream.linear.gather [hbm4b:s21+s2], $0x80, $0x38;
	[tilespmem:$0x4080] =	vst v63  }
0xb1: {  	s22 =	rddreg [dreg:$0x12];
	s23 =	sadd.s32 $0x280, s8  }
0xb2: {  	[tilespmem:s22], [sflag:$0x1] =	stream.linear.gather [hbm4b:s23+s2], $0x80, $0x38;
	[tilespmem:$0x4080] =	vst v63  }
0xb3: {  	s24 =	rddreg [dreg:$0x13];
	s25 =	sadd.s32 $0x300, s8  }
0xb4: {  	[tilespmem:s24], [sflag:$0x1] =	stream.linear.gather [hbm4b:s25+s2], $0x80, $0x38;
	[tilespmem:$0x4080] =	vst v63  }
0xb5: {  	s26 =	rddreg [dreg:$0x14];
	s8 =	sadd.s32 $0x380, s8;
	s28 =	spop (v2sf)  }
0xb6: {  	[tilespmem:s26], [sflag:$0x1] =	stream.linear.gather [hbm4b:s8+s2], $0x80, $0x38;
	[tilespmem:$0x4080] =	vst v63  }
0xb7: {  	s29 =	sshll.u32 s28, $0xA;
	s8 =	sshll.u32 s28, $0x7  }
0xb8: {  	s9 =	sand.u32 $0xFFFFE000, s29;
	s8 =	sand.u32 $0x380, s8  }
0xb9: {  	s8 =	sor.u32 s8, s9  }
0xba: {  	(v2sf) =	vpush v0, $0x3;
	s8 =	sshrl.u32 s8, $0x3  }
0xbb: {  	s30 =	rddreg [dreg:$0x15];
	s8 =	sadd.s32 s3, s8  }
0xbc: {  	[tilespmem:s30], [sflag:$0x1] =	stream.linear.gather [hbm4b:s8+s2], $0x80, $0x38;
	[tilespmem:$0x4080] =	vst v63  }
0xbd: {  	s31 =	rddreg [dreg:$0x16];
	s11 =	sadd.s32 $0x80, s8  }
0xbe: {  	[tilespmem:s31], [sflag:$0x1] =	stream.linear.gather [hbm4b:s11+s2], $0x80, $0x38;
	[tilespmem:$0x4080] =	vst v63  }
0xbf: {  	s12 =	rddreg [dreg:$0x17];
	s13 =	sadd.s32 $0x100, s8  }
0xc0: {  	[tilespmem:s12], [sflag:$0x1] =	stream.linear.gather [hbm4b:s13+s2], $0x80, $0x38;
	[tilespmem:$0x4080] =	vst v63  }
0xc1: {  	s14 =	rddreg [dreg:$0x18];
	s15 =	sadd.s32 $0x180, s8  }
0xc2: {  	[tilespmem:s14], [sflag:$0x1] =	stream.linear.gather [hbm4b:s15+s2], $0x80, $0x38;
	[tilespmem:$0x4080] =	vst v63  }
0xc3: {  	s16 =	rddreg [dreg:$0x19];
	s17 =	sadd.s32 $0x200, s8  }
0xc4: {  	[tilespmem:s16], [sflag:$0x1] =	stream.linear.gather [hbm4b:s17+s2], $0x80, $0x38;
	[tilespmem:$0x4080] =	vst v63  }
0xc5: {  	s18 =	rddreg [dreg:$0x1a];
	s19 =	sadd.s32 $0x280, s8  }
0xc6: {  	[tilespmem:s18], [sflag:$0x1] =	stream.linear.gather [hbm4b:s19+s2], $0x80, $0x38;
	[tilespmem:$0x4080] =	vst v63  }
0xc7: {  	s20 =	rddreg [dreg:$0x1b];
	s21 =	sadd.s32 $0x300, s8  }
0xc8: {  	[tilespmem:s20], [sflag:$0x1] =	stream.linear.gather [hbm4b:s21+s2], $0x80, $0x38;
	[tilespmem:$0x4080] =	vst v63  }
0xc9: {  	s22 =	rddreg [dreg:$0x1c];
	s8 =	sadd.s32 $0x380, s8;
	s23 =	spop (v2sf)  }
0xca: {  	[tilespmem:s22], [sflag:$0x1] =	stream.linear.gather [hbm4b:s8+s2], $0x80, $0x38;
	[tilespmem:$0x4080] =	vst v63  }
0xcb: {  	s24 =	sshll.u32 s23, $0xA;
	s8 =	sshll.u32 s23, $0x7  }
0xcc: {  	s9 =	sand.u32 $0xFFFFE000, s24;
	s8 =	sand.u32 $0x380, s8  }
0xcd: {  	s8 =	sor.u32 s8, s9  }
0xce: {  	s29 =	rddreg [dreg:$0x1f];
	(v2sf) =	vpush v0, $0x4;
	s8 =	sshrl.u32 s8, $0x3  }
0xcf: {  	s25 =	rddreg [dreg:$0x1d];
	s8 =	sadd.s32 s3, s8  }
0xd0: {  	[tilespmem:s25], [sflag:$0x1] =	stream.linear.gather [hbm4b:s8+s2], $0x80, $0x38;
	[tilespmem:$0x4080] =	vst v63  }
0xd1: {  	s26 =	rddreg [dreg:$0x1e];
	s28 =	sadd.s32 $0x80, s8  }
0xd2: {  	[tilespmem:s26], [sflag:$0x1] =	stream.linear.gather [hbm4b:s28+s2], $0x80, $0x38;
	[tilespmem:$0x4080] =	vst v63  }
0xd3: {  	s31 =	sld [smem:$0x799];
	s30 =	sadd.s32 $0x100, s8  }
0xd4: {  	[tilespmem:s29], [sflag:$0x1] =	stream.linear.gather [hbm4b:s30+s2], $0x80, $0x38;
	[tilespmem:$0x4080] =	vst v63  }
0xd5: {  	s12 =	sld [smem:$0x79A];
	s11 =	sadd.s32 $0x180, s8  }
0xd6: {  	[tilespmem:s31], [sflag:$0x1] =	stream.linear.gather [hbm4b:s11+s2], $0x80, $0x38;
	[tilespmem:$0x4080] =	vst v63  }
0xd7: {  	s14 =	sld [smem:$0x79B];
	s13 =	sadd.s32 $0x200, s8  }
0xd8: {  	[tilespmem:s12], [sflag:$0x1] =	stream.linear.gather [hbm4b:s13+s2], $0x80, $0x38;
	[tilespmem:$0x4080] =	vst v63  }
0xd9: {  	s16 =	sld [smem:$0x79C];
	s15 =	sadd.s32 $0x280, s8  }
0xda: {  	[tilespmem:s14], [sflag:$0x1] =	stream.linear.gather [hbm4b:s15+s2], $0x80, $0x38;
	[tilespmem:$0x4080] =	vst v63  }
0xdb: {  	s18 =	sld [smem:$0x79D];
	s17 =	sadd.s32 $0x300, s8  }
0xdc: {  	[tilespmem:s16], [sflag:$0x1] =	stream.linear.gather [hbm4b:s17+s2], $0x80, $0x38;
	[tilespmem:$0x4080] =	vst v63  }
0xdd: {  	s19 =	spop (v2sf);
	s8 =	sadd.s32 $0x380, s8  }
0xde: {  	[tilespmem:s18], [sflag:$0x1] =	stream.linear.gather [hbm4b:s8+s2], $0x80, $0x38;
	[tilespmem:$0x4080] =	vst v63  }
0xdf: {  	s20 =	sshll.u32 s19, $0xA;
	s8 =	sshll.u32 s19, $0x7  }
0xe0: {  	s9 =	sand.u32 $0xFFFFE000, s20;
	s8 =	sand.u32 $0x380, s8  }
0xe1: {  	s21 =	sld [smem:$0x79E];
	s8 =	sor.u32 s8, s9  }
0xe2: {  	(v2sf) =	vpush v0, $0x5;
	s8 =	sshrl.u32 s8, $0x3  }
0xe3: {  	s22 =	sld [smem:$0x79F];
	s8 =	sadd.s32 s3, s8  }
0xe4: {  	[tilespmem:s21], [sflag:$0x1] =	stream.linear.gather [hbm4b:s8+s2], $0x80, $0x38;
	[tilespmem:$0x4080] =	vst v63  }
0xe5: {  	s24 =	sld [smem:$0x7A0];
	s23 =	sadd.s32 $0x80, s8  }
0xe6: {  	[tilespmem:s22], [sflag:$0x1] =	stream.linear.gather [hbm4b:s23+s2], $0x80, $0x38;
	[tilespmem:$0x4080] =	vst v63  }
0xe7: {  	s26 =	sld [smem:$0x7A1];
	s25 =	sadd.s32 $0x100, s8  }
0xe8: {  	[tilespmem:s24], [sflag:$0x1] =	stream.linear.gather [hbm4b:s25+s2], $0x80, $0x38;
	[tilespmem:$0x4080] =	vst v63  }
0xe9: {  	s29 =	sld [smem:$0x7A2];
	s28 =	sadd.s32 $0x180, s8  }
0xea: {  	[tilespmem:s26], [sflag:$0x1] =	stream.linear.gather [hbm4b:s28+s2], $0x80, $0x38;
	[tilespmem:$0x4080] =	vst v63  }
0xeb: {  	s31 =	sld [smem:$0x7A3];
	s30 =	sadd.s32 $0x200, s8  }
0xec: {  	[tilespmem:s29], [sflag:$0x1] =	stream.linear.gather [hbm4b:s30+s2], $0x80, $0x38;
	[tilespmem:$0x4080] =	vst v63  }
0xed: {  	s12 =	sld [smem:$0x7A4];
	s11 =	sadd.s32 $0x280, s8  }
0xee: {  	[tilespmem:s31], [sflag:$0x1] =	stream.linear.gather [hbm4b:s11+s2], $0x80, $0x38;
	[tilespmem:$0x4080] =	vst v63  }
0xef: {  	s14 =	sld [smem:$0x7A5];
	s13 =	sadd.s32 $0x300, s8  }
0xf0: {  	[tilespmem:s12], [sflag:$0x1] =	stream.linear.gather [hbm4b:s13+s2], $0x80, $0x38;
	[tilespmem:$0x4080] =	vst v63  }
0xf1: {  	s15 =	spop (v2sf);
	s8 =	sadd.s32 $0x380, s8  }
0xf2: {  	[tilespmem:s14], [sflag:$0x1] =	stream.linear.gather [hbm4b:s8+s2], $0x80, $0x38;
	[tilespmem:$0x4080] =	vst v63  }
0xf3: {  	s16 =	sshll.u32 s15, $0xA;
	s8 =	sshll.u32 s15, $0x7  }
0xf4: {  	s9 =	sand.u32 $0xFFFFE000, s16;
	s8 =	sand.u32 $0x380, s8  }
0xf5: {  	s17 =	sld [smem:$0x7A6];
	s8 =	sor.u32 s8, s9  }
0xf6: {  	(v2sf) =	vpush v0, $0x6;
	s8 =	sshrl.u32 s8, $0x3  }
0xf7: {  	s18 =	sld [smem:$0x7A7];
	s8 =	sadd.s32 s3, s8  }
0xf8: {  	[tilespmem:s17], [sflag:$0x1] =	stream.linear.gather [hbm4b:s8+s2], $0x80, $0x38;
	[tilespmem:$0x4080] =	vst v63  }
0xf9: {  	s20 =	sld [smem:$0x7A8];
	s19 =	sadd.s32 $0x80, s8  }
0xfa: {  	[tilespmem:s18], [sflag:$0x1] =	stream.linear.gather [hbm4b:s19+s2], $0x80, $0x38;
	[tilespmem:$0x4080] =	vst v63  }
0xfb: {  	s22 =	sld [smem:$0x7A9];
	s21 =	sadd.s32 $0x100, s8  }
0xfc: {  	[tilespmem:s20], [sflag:$0x1] =	stream.linear.gather [hbm4b:s21+s2], $0x80, $0x38;
	[tilespmem:$0x4080] =	vst v63  }
0xfd: {  	s24 =	sld [smem:$0x7AA];
	s23 =	sadd.s32 $0x180, s8  }
0xfe: {  	[tilespmem:s22], [sflag:$0x1] =	stream.linear.gather [hbm4b:s23+s2], $0x80, $0x38;
	[tilespmem:$0x4080] =	vst v63  }
0xff: {  	s26 =	sld [smem:$0x7AB];
	s25 =	sadd.s32 $0x200, s8  }
0x100: {  	[tilespmem:s24], [sflag:$0x1] =	stream.linear.gather [hbm4b:s25+s2], $0x80, $0x38;
	[tilespmem:$0x4080] =	vst v63  }
0x101: {  	s29 =	sld [smem:$0x7AC];
	s28 =	sadd.s32 $0x280, s8  }
0x102: {  	[tilespmem:s26], [sflag:$0x1] =	stream.linear.gather [hbm4b:s28+s2], $0x80, $0x38;
	[tilespmem:$0x4080] =	vst v63  }
0x103: {  	s31 =	sld [smem:$0x7AD];
	s30 =	sadd.s32 $0x300, s8  }
0x104: {  	[tilespmem:s29], [sflag:$0x1] =	stream.linear.gather [hbm4b:s30+s2], $0x80, $0x38;
	[tilespmem:$0x4080] =	vst v63  }
0x105: {  	s11 =	spop (v2sf);
	s8 =	sadd.s32 $0x380, s8  }
0x106: {  	[tilespmem:s31], [sflag:$0x1] =	stream.linear.gather [hbm4b:s8+s2], $0x80, $0x38;
	[tilespmem:$0x4080] =	vst v63  }
0x107: {  	s12 =	sshll.u32 s11, $0xA;
	s8 =	sshll.u32 s11, $0x7  }
0x108: {  	s9 =	sand.u32 $0xFFFFE000, s12;
	s8 =	sand.u32 $0x380, s8  }
0x109: {  	s13 =	sld [smem:$0x7AE];
	s8 =	sor.u32 s8, s9  }
0x10a: {  	(v2sf) =	vpush v0, $0x7;
	s8 =	sshrl.u32 s8, $0x3  }
0x10b: {  	s14 =	sld [smem:$0x7AF];
	s8 =	sadd.s32 s3, s8  }
0x10c: {  	[tilespmem:s13], [sflag:$0x1] =	stream.linear.gather [hbm4b:s8+s2], $0x80, $0x38;
	[tilespmem:$0x4080] =	vst v63  }
0x10d: {  	s16 =	sld [smem:$0x7B0];
	s15 =	sadd.s32 $0x80, s8  }
0x10e: {  	[tilespmem:s14], [sflag:$0x1] =	stream.linear.gather [hbm4b:s15+s2], $0x80, $0x38;
	[tilespmem:$0x4080] =	vst v63  }
0x10f: {  	s18 =	sld [smem:$0x7B1];
	s17 =	sadd.s32 $0x100, s8  }
0x110: {  	[tilespmem:s16], [sflag:$0x1] =	stream.linear.gather [hbm4b:s17+s2], $0x80, $0x38;
	[tilespmem:$0x4080] =	vst v63  }
0x111: {  	s20 =	sld [smem:$0x7B2];
	s19 =	sadd.s32 $0x180, s8  }
0x112: {  	[tilespmem:s18], [sflag:$0x1] =	stream.linear.gather [hbm4b:s19+s2], $0x80, $0x38;
	[tilespmem:$0x4080] =	vst v63  }
0x113: {  	s22 =	sld [smem:$0x7B3];
	s21 =	sadd.s32 $0x200, s8  }
0x114: {  	[tilespmem:s20], [sflag:$0x1] =	stream.linear.gather [hbm4b:s21+s2], $0x80, $0x38;
	[tilespmem:$0x4080] =	vst v63  }
0x115: {  	s24 =	sld [smem:$0x7B4];
	s23 =	sadd.s32 $0x280, s8  }
0x116: {  	[tilespmem:s22], [sflag:$0x1] =	stream.linear.gather [hbm4b:s23+s2], $0x80, $0x38;
	[tilespmem:$0x4080] =	vst v63  }
0x117: {  	s26 =	sld [smem:$0x7B5];
	s25 =	sadd.s32 $0x300, s8  }
0x118: {  	[tilespmem:s24], [sflag:$0x1] =	stream.linear.gather [hbm4b:s25+s2], $0x80, $0x38;
	[tilespmem:$0x4080] =	vst v63  }
0x119: {  	s28 =	spop (v2sf);
	s8 =	sadd.s32 $0x380, s8  }
0x11a: {  	[tilespmem:s26], [sflag:$0x1] =	stream.linear.gather [hbm4b:s8+s2], $0x80, $0x38;
	[tilespmem:$0x4080] =	vst v63  }
0x11b: {  	s29 =	sshll.u32 s28, $0xA;
	s8 =	sshll.u32 s28, $0x7  }
0x11c: {  	s9 =	sand.u32 $0xFFFFE000, s29;
	s8 =	sand.u32 $0x380, s8  }
0x11d: {  	s30 =	sld [smem:$0x7B6];
	s8 =	sor.u32 s8, s9  }
0x11e: {  	(v2sf) =	vpush v0, $0x8;
	s8 =	sshrl.u32 s8, $0x3  }
0x11f: {  	s31 =	sld [smem:$0x7B7];
	s8 =	sadd.s32 s3, s8  }
0x120: {  	[tilespmem:s30], [sflag:$0x1] =	stream.linear.gather [hbm4b:s8+s2], $0x80, $0x38;
	[tilespmem:$0x4080] =	vst v63  }
0x121: {  	s12 =	sld [smem:$0x7B8];
	s11 =	sadd.s32 $0x80, s8  }
0x122: {  	[tilespmem:s31], [sflag:$0x1] =	stream.linear.gather [hbm4b:s11+s2], $0x80, $0x38;
	[tilespmem:$0x4080] =	vst v63  }
0x123: {  	s14 =	sld [smem:$0x7B9];
	s13 =	sadd.s32 $0x100, s8  }
0x124: {  	[tilespmem:s12], [sflag:$0x1] =	stream.linear.gather [hbm4b:s13+s2], $0x80, $0x38;
	[tilespmem:$0x4080] =	vst v63  }
0x125: {  	s16 =	sld [smem:$0x7BA];
	s15 =	sadd.s32 $0x180, s8  }
0x126: {  	[tilespmem:s14], [sflag:$0x1] =	stream.linear.gather [hbm4b:s15+s2], $0x80, $0x38;
	[tilespmem:$0x4080] =	vst v63  }
0x127: {  	s18 =	sld [smem:$0x7BB];
	s17 =	sadd.s32 $0x200, s8  }
0x128: {  	[tilespmem:s16], [sflag:$0x1] =	stream.linear.gather [hbm4b:s17+s2], $0x80, $0x38;
	[tilespmem:$0x4080] =	vst v63  }
0x129: {  	s20 =	sld [smem:$0x7BC];
	s19 =	sadd.s32 $0x280, s8  }
0x12a: {  	[tilespmem:s18], [sflag:$0x1] =	stream.linear.gather [hbm4b:s19+s2], $0x80, $0x38;
	[tilespmem:$0x4080] =	vst v63  }
0x12b: {  	s22 =	sld [smem:$0x7BD];
	s21 =	sadd.s32 $0x300, s8  }
0x12c: {  	[tilespmem:s20], [sflag:$0x1] =	stream.linear.gather [hbm4b:s21+s2], $0x80, $0x38;
	[tilespmem:$0x4080] =	vst v63  }
0x12d: {  	s23 =	spop (v2sf);
	s8 =	sadd.s32 $0x380, s8  }
0x12e: {  	[tilespmem:s22], [sflag:$0x1] =	stream.linear.gather [hbm4b:s8+s2], $0x80, $0x38;
	[tilespmem:$0x4080] =	vst v63  }
0x12f: {  	s24 =	sshll.u32 s23, $0xA;
	s8 =	sshll.u32 s23, $0x7  }
0x130: {  	s9 =	sand.u32 $0xFFFFE000, s24;
	s8 =	sand.u32 $0x380, s8  }
0x131: {  	s25 =	sld [smem:$0x7BE];
	s8 =	sor.u32 s8, s9  }
0x132: {  	(v2sf) =	vpush v0, $0x9;
	s8 =	sshrl.u32 s8, $0x3  }
0x133: {  	s26 =	sld [smem:$0x7BF];
	s8 =	sadd.s32 s3, s8  }
0x134: {  	[tilespmem:s25], [sflag:$0x1] =	stream.linear.gather [hbm4b:s8+s2], $0x80, $0x38;
	[tilespmem:$0x4080] =	vst v63  }
0x135: {  	s29 =	sld [smem:$0x7C0];
	s28 =	sadd.s32 $0x80, s8  }
0x136: {  	[tilespmem:s26], [sflag:$0x1] =	stream.linear.gather [hbm4b:s28+s2], $0x80, $0x38;
	[tilespmem:$0x4080] =	vst v63  }
0x137: {  	s31 =	sld [smem:$0x7C1];
	s30 =	sadd.s32 $0x100, s8  }
0x138: {  	[tilespmem:s29], [sflag:$0x1] =	stream.linear.gather [hbm4b:s30+s2], $0x80, $0x38;
	[tilespmem:$0x4080] =	vst v63  }
0x139: {  	s12 =	sld [smem:$0x7C2];
	s11 =	sadd.s32 $0x180, s8  }
0x13a: {  	[tilespmem:s31], [sflag:$0x1] =	stream.linear.gather [hbm4b:s11+s2], $0x80, $0x38;
	[tilespmem:$0x4080] =	vst v63  }
0x13b: {  	s14 =	sld [smem:$0x7C3];
	s13 =	sadd.s32 $0x200, s8  }
0x13c: {  	[tilespmem:s12], [sflag:$0x1] =	stream.linear.gather [hbm4b:s13+s2], $0x80, $0x38;
	[tilespmem:$0x4080] =	vst v63  }
0x13d: {  	s16 =	sld [smem:$0x7C4];
	s15 =	sadd.s32 $0x280, s8  }
0x13e: {  	[tilespmem:s14], [sflag:$0x1] =	stream.linear.gather [hbm4b:s15+s2], $0x80, $0x38;
	[tilespmem:$0x4080] =	vst v63  }
0x13f: {  	s18 =	sld [smem:$0x7C5];
	s17 =	sadd.s32 $0x300, s8  }
0x140: {  	[tilespmem:s16], [sflag:$0x1] =	stream.linear.gather [hbm4b:s17+s2], $0x80, $0x38;
	[tilespmem:$0x4080] =	vst v63  }
0x141: {  	s19 =	spop (v2sf);
	s8 =	sadd.s32 $0x380, s8  }
0x142: {  	[tilespmem:s18], [sflag:$0x1] =	stream.linear.gather [hbm4b:s8+s2], $0x80, $0x38;
	[tilespmem:$0x4080] =	vst v63  }
0x143: {  	s20 =	sshll.u32 s19, $0xA;
	s8 =	sshll.u32 s19, $0x7  }
0x144: {  	s9 =	sand.u32 $0xFFFFE000, s20;
	s8 =	sand.u32 $0x380, s8  }
0x145: {  	s21 =	sld [smem:$0x7C6];
	s8 =	sor.u32 s8, s9  }
0x146: {  	(v2sf) =	vpush v0, $0xA;
	s8 =	sshrl.u32 s8, $0x3  }
0x147: {  	s22 =	sld [smem:$0x7C7];
	s8 =	sadd.s32 s3, s8  }
0x148: {  	[tilespmem:s21], [sflag:$0x1] =	stream.linear.gather [hbm4b:s8+s2], $0x80, $0x38;
	[tilespmem:$0x4080] =	vst v63  }
0x149: {  	s24 =	sld [smem:$0x7C8];
	s23 =	sadd.s32 $0x80, s8  }
0x14a: {  	[tilespmem:s22], [sflag:$0x1] =	stream.linear.gather [hbm4b:s23+s2], $0x80, $0x38;
	[tilespmem:$0x4080] =	vst v63  }
0x14b: {  	s26 =	sld [smem:$0x7C9];
	s25 =	sadd.s32 $0x100, s8  }
0x14c: {  	[tilespmem:s24], [sflag:$0x1] =	stream.linear.gather [hbm4b:s25+s2], $0x80, $0x38;
	[tilespmem:$0x4080] =	vst v63  }
0x14d: {  	s29 =	sld [smem:$0x7CA];
	s28 =	sadd.s32 $0x180, s8  }
0x14e: {  	[tilespmem:s26], [sflag:$0x1] =	stream.linear.gather [hbm4b:s28+s2], $0x80, $0x38;
	[tilespmem:$0x4080] =	vst v63  }
0x14f: {  	s31 =	sld [smem:$0x7CB];
	s30 =	sadd.s32 $0x200, s8  }
0x150: {  	[tilespmem:s29], [sflag:$0x1] =	stream.linear.gather [hbm4b:s30+s2], $0x80, $0x38;
	[tilespmem:$0x4080] =	vst v63  }
0x151: {  	s12 =	sld [smem:$0x7CC];
	s11 =	sadd.s32 $0x280, s8  }
0x152: {  	[tilespmem:s31], [sflag:$0x1] =	stream.linear.gather [hbm4b:s11+s2], $0x80, $0x38;
	[tilespmem:$0x4080] =	vst v63  }
0x153: {  	s14 =	sld [smem:$0x7CD];
	s13 =	sadd.s32 $0x300, s8  }
0x154: {  	[tilespmem:s12], [sflag:$0x1] =	stream.linear.gather [hbm4b:s13+s2], $0x80, $0x38;
	[tilespmem:$0x4080] =	vst v63  }
0x155: {  	s15 =	spop (v2sf);
	s8 =	sadd.s32 $0x380, s8  }
0x156: {  	[tilespmem:s14], [sflag:$0x1] =	stream.linear.gather [hbm4b:s8+s2], $0x80, $0x38;
	[tilespmem:$0x4080] =	vst v63  }
0x157: {  	s16 =	sshll.u32 s15, $0xA;
	s8 =	sshll.u32 s15, $0x7  }
0x158: {  	s9 =	sand.u32 $0xFFFFE000, s16;
	s8 =	sand.u32 $0x380, s8  }
0x159: {  	s17 =	sld [smem:$0x7CE];
	s8 =	sor.u32 s8, s9  }
0x15a: {  	(v2sf) =	vpush v0, $0xB;
	s8 =	sshrl.u32 s8, $0x3  }
0x15b: {  	s18 =	sld [smem:$0x7CF];
	s8 =	sadd.s32 s3, s8  }
0x15c: {  	[tilespmem:s17], [sflag:$0x1] =	stream.linear.gather [hbm4b:s8+s2], $0x80, $0x38;
	[tilespmem:$0x4080] =	vst v63  }
0x15d: {  	s20 =	sld [smem:$0x7D0];
	s19 =	sadd.s32 $0x80, s8  }
0x15e: {  	[tilespmem:s18], [sflag:$0x1] =	stream.linear.gather [hbm4b:s19+s2], $0x80, $0x38;
	[tilespmem:$0x4080] =	vst v63  }
0x15f: {  	s22 =	sld [smem:$0x7D1];
	s21 =	sadd.s32 $0x100, s8  }
0x160: {  	[tilespmem:s20], [sflag:$0x1] =	stream.linear.gather [hbm4b:s21+s2], $0x80, $0x38;
	[tilespmem:$0x4080] =	vst v63  }
0x161: {  	s24 =	sld [smem:$0x7D2];
	s23 =	sadd.s32 $0x180, s8  }
0x162: {  	[tilespmem:s22], [sflag:$0x1] =	stream.linear.gather [hbm4b:s23+s2], $0x80, $0x38;
	[tilespmem:$0x4080] =	vst v63  }
0x163: {  	s26 =	sld [smem:$0x7D3];
	s25 =	sadd.s32 $0x200, s8  }
0x164: {  	[tilespmem:s24], [sflag:$0x1] =	stream.linear.gather [hbm4b:s25+s2], $0x80, $0x38;
	[tilespmem:$0x4080] =	vst v63  }
0x165: {  	s29 =	sld [smem:$0x7D4];
	s28 =	sadd.s32 $0x280, s8  }
0x166: {  	[tilespmem:s26], [sflag:$0x1] =	stream.linear.gather [hbm4b:s28+s2], $0x80, $0x38;
	[tilespmem:$0x4080] =	vst v63  }
0x167: {  	s31 =	sld [smem:$0x7D5];
	s30 =	sadd.s32 $0x300, s8  }
0x168: {  	[tilespmem:s29], [sflag:$0x1] =	stream.linear.gather [hbm4b:s30+s2], $0x80, $0x38;
	[tilespmem:$0x4080] =	vst v63  }
0x169: {  	s9 =	spop (v2sf);
	s8 =	sadd.s32 $0x380, s8  }
0x16a: {  	[tilespmem:s31], [sflag:$0x1] =	stream.linear.gather [hbm4b:s8+s2], $0x80, $0x38;
	[tilespmem:$0x4080] =	vst v63  }
0x16b: {  	s10 =	sshll.u32 s9, $0xA;
	s8 =	sshll.u32 s9, $0x7  }
0x16c: {  	s9 =	sand.u32 $0xFFFFE000, s10;
	s8 =	sand.u32 $0x380, s8  }
0x16d: {  	s11 =	sld [smem:$0x7D6];
	s8 =	sor.u32 s8, s9  }
0x16e: {  	(v2sf) =	vpush v0, $0xC;
	s8 =	sshrl.u32 s8, $0x3  }
0x16f: {  	s12 =	sld [smem:$0x7D7];
	s8 =	sadd.s32 s3, s8  }
0x170: {  	[tilespmem:s11], [sflag:$0x1] =	stream.linear.gather [hbm4b:s8+s2], $0x80, $0x38;
	[tilespmem:$0x4080] =	vst v63  }
0x171: {  	s14 =	sld [smem:$0x7D8];
	s13 =	sadd.s32 $0x80, s8  }
0x172: {  	[tilespmem:s12], [sflag:$0x1] =	stream.linear.gather [hbm4b:s13+s2], $0x80, $0x38;
	[tilespmem:$0x4080] =	vst v63  }
0x173: {  	s16 =	sld [smem:$0x7D9];
	s15 =	sadd.s32 $0x100, s8  }
0x174: {  	[tilespmem:s14], [sflag:$0x1] =	stream.linear.gather [hbm4b:s15+s2], $0x80, $0x38;
	[tilespmem:$0x4080] =	vst v63  }
0x175: {  	s18 =	sld [smem:$0x7DA];
	s17 =	sadd.s32 $0x180, s8  }
0x176: {  	[tilespmem:s16], [sflag:$0x1] =	stream.linear.gather [hbm4b:s17+s2], $0x80, $0x38;
	[tilespmem:$0x4080] =	vst v63  }
0x177: {  	s20 =	sld [smem:$0x7DB];
	s19 =	sadd.s32 $0x200, s8  }
0x178: {  	[tilespmem:s18], [sflag:$0x1] =	stream.linear.gather [hbm4b:s19+s2], $0x80, $0x38;
	[tilespmem:$0x4080] =	vst v63  }
0x179: {  	s22 =	sld [smem:$0x7DC];
	s21 =	sadd.s32 $0x280, s8  }
0x17a: {  	[tilespmem:s20], [sflag:$0x1] =	stream.linear.gather [hbm4b:s21+s2], $0x80, $0x38;
	[tilespmem:$0x4080] =	vst v63  }
0x17b: {  	s24 =	sld [smem:$0x7DD];
	s23 =	sadd.s32 $0x300, s8  }
0x17c: {  	[tilespmem:s22], [sflag:$0x1] =	stream.linear.gather [hbm4b:s23+s2], $0x80, $0x38;
	[tilespmem:$0x4080] =	vst v63  }
0x17d: {  	s25 =	spop (v2sf);
	s8 =	sadd.s32 $0x380, s8  }
0x17e: {  	[tilespmem:s24], [sflag:$0x1] =	stream.linear.gather [hbm4b:s8+s2], $0x80, $0x38;
	[tilespmem:$0x4080] =	vst v63  }
0x17f: {  	s26 =	sshll.u32 s25, $0xA;
	s8 =	sshll.u32 s25, $0x7  }
0x180: {  	s9 =	sand.u32 $0xFFFFE000, s26;
	s8 =	sand.u32 $0x380, s8  }
0x181: {  	s28 =	sld [smem:$0x7DE];
	s8 =	sor.u32 s8, s9  }
0x182: {  	(v2sf) =	vpush v0, $0xD;
	s8 =	sshrl.u32 s8, $0x3  }
0x183: {  	s29 =	sld [smem:$0x7DF];
	s8 =	sadd.s32 s3, s8  }
0x184: {  	[tilespmem:s28], [sflag:$0x1] =	stream.linear.gather [hbm4b:s8+s2], $0x80, $0x38;
	[tilespmem:$0x4080] =	vst v63  }
0x185: {  	s31 =	sld [smem:$0x7E0];
	s30 =	sadd.s32 $0x80, s8  }
0x186: {  	[tilespmem:s29], [sflag:$0x1] =	stream.linear.gather [hbm4b:s30+s2], $0x80, $0x38;
	[tilespmem:$0x4080] =	vst v63  }
0x187: {  	s12 =	sld [smem:$0x7E1];
	s10 =	sadd.s32 $0x100, s8  }
0x188: {  	[tilespmem:s31], [sflag:$0x1] =	stream.linear.gather [hbm4b:s10+s2], $0x80, $0x38;
	[tilespmem:$0x4080] =	vst v63  }
0x189: {  	s14 =	sld [smem:$0x7E2];
	s13 =	sadd.s32 $0x180, s8  }
0x18a: {  	[tilespmem:s12], [sflag:$0x1] =	stream.linear.gather [hbm4b:s13+s2], $0x80, $0x38;
	[tilespmem:$0x4080] =	vst v63  }
0x18b: {  	s16 =	sld [smem:$0x7E3];
	s15 =	sadd.s32 $0x200, s8  }
0x18c: {  	[tilespmem:s14], [sflag:$0x1] =	stream.linear.gather [hbm4b:s15+s2], $0x80, $0x38;
	[tilespmem:$0x4080] =	vst v63  }
0x18d: {  	s18 =	sld [smem:$0x7E4];
	s17 =	sadd.s32 $0x280, s8  }
0x18e: {  	[tilespmem:s16], [sflag:$0x1] =	stream.linear.gather [hbm4b:s17+s2], $0x80, $0x38;
	[tilespmem:$0x4080] =	vst v63  }
0x18f: {  	s20 =	sld [smem:$0x7E5];
	s19 =	sadd.s32 $0x300, s8  }
0x190: {  	[tilespmem:s18], [sflag:$0x1] =	stream.linear.gather [hbm4b:s19+s2], $0x80, $0x38;
	[tilespmem:$0x4080] =	vst v63  }
0x191: {  	s21 =	spop (v2sf);
	s8 =	sadd.s32 $0x380, s8  }
0x192: {  	[tilespmem:s20], [sflag:$0x1] =	stream.linear.gather [hbm4b:s8+s2], $0x80, $0x38;
	[tilespmem:$0x4080] =	vst v63  }
0x193: {  	s22 =	sshll.u32 s21, $0xA;
	s8 =	sshll.u32 s21, $0x7  }
0x194: {  	s9 =	sand.u32 $0xFFFFE000, s22;
	s8 =	sand.u32 $0x380, s8  }
0x195: {  	s23 =	sld [smem:$0x7E6];
	s8 =	sor.u32 s8, s9  }
0x196: {  	(v2sf) =	vpush v0, $0xE;
	s8 =	sshrl.u32 s8, $0x3  }
0x197: {  	s24 =	sld [smem:$0x7E7];
	s8 =	sadd.s32 s3, s8  }
0x198: {  	[tilespmem:s23], [sflag:$0x1] =	stream.linear.gather [hbm4b:s8+s2], $0x80, $0x38;
	[tilespmem:$0x4080] =	vst v63  }
0x199: {  	s26 =	sld [smem:$0x7E8];
	s25 =	sadd.s32 $0x80, s8  }
0x19a: {  	[tilespmem:s24], [sflag:$0x1] =	stream.linear.gather [hbm4b:s25+s2], $0x80, $0x38;
	[tilespmem:$0x4080] =	vst v63  }
0x19b: {  	s29 =	sld [smem:$0x7E9];
	s28 =	sadd.s32 $0x100, s8  }
0x19c: {  	[tilespmem:s26], [sflag:$0x1] =	stream.linear.gather [hbm4b:s28+s2], $0x80, $0x38;
	[tilespmem:$0x4080] =	vst v63  }
0x19d: {  	s31 =	sld [smem:$0x7EA];
	s30 =	sadd.s32 $0x180, s8  }
0x19e: {  	[tilespmem:s29], [sflag:$0x1] =	stream.linear.gather [hbm4b:s30+s2], $0x80, $0x38;
	[tilespmem:$0x4080] =	vst v63  }
0x19f: {  	s12 =	sld [smem:$0x7EB];
	s10 =	sadd.s32 $0x200, s8  }
0x1a0: {  	[tilespmem:s31], [sflag:$0x1] =	stream.linear.gather [hbm4b:s10+s2], $0x80, $0x38;
	[tilespmem:$0x4080] =	vst v63  }
0x1a1: {  	s14 =	sld [smem:$0x7EC];
	s13 =	sadd.s32 $0x280, s8  }
0x1a2: {  	[tilespmem:s12], [sflag:$0x1] =	stream.linear.gather [hbm4b:s13+s2], $0x80, $0x38;
	[tilespmem:$0x4080] =	vst v63  }
0x1a3: {  	s16 =	sld [smem:$0x7ED];
	s15 =	sadd.s32 $0x300, s8  }
0x1a4: {  	[tilespmem:s14], [sflag:$0x1] =	stream.linear.gather [hbm4b:s15+s2], $0x80, $0x38;
	[tilespmem:$0x4080] =	vst v63  }
0x1a5: {  	s17 =	spop (v2sf);
	s8 =	sadd.s32 $0x380, s8  }
0x1a6: {  	[tilespmem:s16], [sflag:$0x1] =	stream.linear.gather [hbm4b:s8+s2], $0x80, $0x38;
	[tilespmem:$0x4080] =	vst v63  }
0x1a7: {  	s18 =	sshll.u32 s17, $0xA;
	s8 =	sshll.u32 s17, $0x7  }
0x1a8: {  	s9 =	sand.u32 $0xFFFFE000, s18;
	s8 =	sand.u32 $0x380, s8  }
0x1a9: {  	s19 =	sld [smem:$0x7EE];
	s8 =	sor.u32 s8, s9  }
0x1aa: {  	(v2sf) =	vpush v0, $0xF;
	s8 =	sshrl.u32 s8, $0x3  }
0x1ab: {  	s20 =	sld [smem:$0x7EF];
	s8 =	sadd.s32 s3, s8  }
0x1ac: {  	[tilespmem:s19], [sflag:$0x1] =	stream.linear.gather [hbm4b:s8+s2], $0x80, $0x38;
	[tilespmem:$0x4080] =	vst v63  }
0x1ad: {  	s22 =	sld [smem:$0x7F0];
	s21 =	sadd.s32 $0x80, s8  }
0x1ae: {  	[tilespmem:s20], [sflag:$0x1] =	stream.linear.gather [hbm4b:s21+s2], $0x80, $0x38;
	[tilespmem:$0x4080] =	vst v63  }
0x1af: {  	s24 =	sld [smem:$0x7F1];
	s23 =	sadd.s32 $0x100, s8  }
0x1b0: {  	[tilespmem:s22], [sflag:$0x1] =	stream.linear.gather [hbm4b:s23+s2], $0x80, $0x38;
	[tilespmem:$0x4080] =	vst v63  }
0x1b1: {  	s26 =	sld [smem:$0x7F2];
	s25 =	sadd.s32 $0x180, s8  }
0x1b2: {  	[tilespmem:s24], [sflag:$0x1] =	stream.linear.gather [hbm4b:s25+s2], $0x80, $0x38;
	[tilespmem:$0x4080] =	vst v63  }
0x1b3: {  	s29 =	sld [smem:$0x7F3];
	s28 =	sadd.s32 $0x200, s8  }
0x1b4: {  	[tilespmem:s26], [sflag:$0x1] =	stream.linear.gather [hbm4b:s28+s2], $0x80, $0x38;
	[tilespmem:$0x4080] =	vst v63  }
0x1b5: {  	s31 =	sld [smem:$0x7F4];
	s30 =	sadd.s32 $0x280, s8  }
0x1b6: {  	[tilespmem:s29], [sflag:$0x1] =	stream.linear.gather [hbm4b:s30+s2], $0x80, $0x38;
	[tilespmem:$0x4080] =	vst v63  }
0x1b7: {  	s13 =	sld [smem:$0x7F5];
	s12 =	sadd.s32 $0x300, s8  }
0x1b8: {  	[tilespmem:s31], [sflag:$0x1] =	stream.linear.gather [hbm4b:s12+s2], $0x80, $0x38;
	[tilespmem:$0x4080] =	vst v63  }
0x1b9: {  	s14 =	spop (v2sf);
	s8 =	sadd.s32 $0x380, s8  }
0x1ba: {  	[tilespmem:s13], [sflag:$0x1] =	stream.linear.gather [hbm4b:s8+s2], $0x80, $0x38;
	[tilespmem:$0x4080] =	vst v63  }
0x1bb: {  	s15 =	sshll.u32 s14, $0xA;
	s8 =	sshll.u32 s14, $0x7  }
0x1bc: {  	s9 =	sand.u32 $0xFFFFE000, s15;
	s8 =	sand.u32 $0x380, s8  }
0x1bd: {  	s16 =	sld [smem:$0x7F6];
	s8 =	sor.u32 s8, s9  }
0x1be: {  	s8 =	sshrl.u32 s8, $0x3  }
0x1bf: {  	s17 =	sld [smem:$0x7F7];
	s8 =	sadd.s32 s3, s8  }
0x1c0: {  	[tilespmem:s16], [sflag:$0x1] =	stream.linear.gather [hbm4b:s8+s2], $0x80, $0x38;
	[tilespmem:$0x4080] =	vst v63  }
0x1c1: {  	s19 =	sld [smem:$0x7F8];
	s18 =	sadd.s32 $0x80, s8  }
0x1c2: {  	[tilespmem:s17], [sflag:$0x1] =	stream.linear.gather [hbm4b:s18+s2], $0x80, $0x38;
	[tilespmem:$0x4080] =	vst v63  }
0x1c3: {  	s21 =	sld [smem:$0x7F9];
	s20 =	sadd.s32 $0x100, s8  }
0x1c4: {  	[tilespmem:s19], [sflag:$0x1] =	stream.linear.gather [hbm4b:s20+s2], $0x80, $0x38;
	[tilespmem:$0x4080] =	vst v63  }
0x1c5: {  	s23 =	sld [smem:$0x7FA];
	s22 =	sadd.s32 $0x180, s8  }
0x1c6: {  	[tilespmem:s21], [sflag:$0x1] =	stream.linear.gather [hbm4b:s22+s2], $0x80, $0x38;
	[tilespmem:$0x4080] =	vst v63  }
0x1c7: {  	s25 =	sld [smem:$0x7FB];
	s24 =	sadd.s32 $0x200, s8  }
0x1c8: {  	[tilespmem:s23], [sflag:$0x1] =	stream.linear.gather [hbm4b:s24+s2], $0x80, $0x38;
	[tilespmem:$0x4080] =	vst v63  }
0x1c9: {  	s28 =	sld [smem:$0x7FC];
	s26 =	sadd.s32 $0x280, s8  }
0x1ca: {  	[tilespmem:s25], [sflag:$0x1] =	stream.linear.gather [hbm4b:s26+s2], $0x80, $0x38;
	[tilespmem:$0x4080] =	vst v63  }
0x1cb: {  	s30 =	sld [smem:$0x7FD];
	s29 =	sadd.s32 $0x300, s8  }
0x1cc: {  	[tilespmem:s28], [sflag:$0x1] =	stream.linear.gather [hbm4b:s29+s2], $0x80, $0x38;
	[tilespmem:$0x4080] =	vst v63  }
0x1cd: {  	s8 =	sadd.s32 $0x380, s8  }
0x1ce: {  	[tilespmem:s30], [sflag:$0x1] =	stream.linear.gather [hbm4b:s8+s2], $0x80, $0x38;
	[tilespmem:$0x4080] =	vst v63  }
0x1cf: {  	_ =	swait.ge [sflag:s7], $0x400  }
0x1d0: {  	[sflag:s7] =	ssyncset.done $0x0  }
0x1d1: {  	[sflag:s7] =	ssyncadd.s32 $0xFFFFFC00  }
0x1d2: {  	_ =	swait.ge [sflag:s7], $0x400  }
0x1d3: {  	[sflag:s7] =	ssyncset.done $0x0  }
0x1d4: {  	[sflag:s7] =	ssyncadd.s32 $0xFFFFFC00  }
0x1d5: {  	_ =	swait.ge [sflag:s7], $0x400  }
0x1d6: {  	[sflag:s7] =	ssyncset.done $0x0  }
0x1d7: {  	[sflag:s7] =	ssyncadd.s32 $0xFFFFFC00  }
0x1d8: {  	_ =	swait.ge [sflag:s7], $0x400  }
0x1d9: {  	[sflag:s7] =	ssyncset.done $0x0  }
0x1da: {  	[sflag:s7] =	ssyncadd.s32 $0xFFFFFC00  }
0x1db: {  	_ =	swait.ge [sflag:s7], $0x400  }
0x1dc: {  	[sflag:s7] =	ssyncset.done $0x0  }
0x1dd: {  	[sflag:s7] =	ssyncadd.s32 $0xFFFFFC00  }
0x1de: {  	_ =	swait.ge [sflag:s7], $0x400  }
0x1df: {  	[sflag:s7] =	ssyncset.done $0x0  }
0x1e0: {  	[sflag:s7] =	ssyncadd.s32 $0xFFFFFC00  }
0x1e1: {  	_ =	swait.ge [sflag:s7], $0x400  }
0x1e2: {  	[sflag:s7] =	ssyncset.done $0x0  }
0x1e3: {  	[sflag:s7] =	ssyncadd.s32 $0xFFFFFC00  }
0x1e4: {  	_ =	swait.ge [sflag:s7], $0x400  }
0x1e5: {  	[sflag:s7] =	ssyncset.done $0x0  }
0x1e6: {  	[sflag:s7] =	ssyncadd.s32 $0xFFFFFC00  }
0x1e7: {  	_ =	swait.ge [sflag:s7], $0x400  }
0x1e8: {  	[sflag:s7] =	ssyncset.done $0x0  }
0x1e9: {  	[sflag:s7] =	ssyncadd.s32 $0xFFFFFC00  }
0x1ea: {  	_ =	swait.ge [sflag:s7], $0x400  }
0x1eb: {  	[sflag:s7] =	ssyncset.done $0x0  }
0x1ec: {  	[sflag:s7] =	ssyncadd.s32 $0xFFFFFC00  }
0x1ed: {  	_ =	swait.ge [sflag:s7], $0x400  }
0x1ee: {  	[sflag:s7] =	ssyncset.done $0x0  }
0x1ef: {  	[sflag:s7] =	ssyncadd.s32 $0xFFFFFC00  }
0x1f0: {  	_ =	swait.ge [sflag:s7], $0x400  }
0x1f1: {  	[sflag:s7] =	ssyncset.done $0x0  }
0x1f2: {  	[sflag:s7] =	ssyncadd.s32 $0xFFFFFC00  }
0x1f3: {  	_ =	swait.ge [sflag:s7], $0x400  }
0x1f4: {  	[sflag:s7] =	ssyncset.done $0x0  }
0x1f5: {  	[sflag:s7] =	ssyncadd.s32 $0xFFFFFC00  }
0x1f6: {  	_ =	swait.ge [sflag:s7], $0x400  }
0x1f7: {  	[sflag:s7] =	ssyncset.done $0x0  }
0x1f8: {  	[sflag:s7] =	ssyncadd.s32 $0xFFFFFC00  }
0x1f9: {  	_ =	swait.ge [sflag:s7], $0x400  }
0x1fa: {  	[sflag:s7] =	ssyncset.done $0x0  }
0x1fb: {  	[sflag:s7] =	ssyncadd.s32 $0xFFFFFC00  }
0x1fc: {  	_ =	swait.ge [sflag:s7], $0x400  }
0x1fd: {  	p0 =	sne.s32 s4, $0x1;
	[sflag:s7] =	ssyncset.done $0x0  }
.Ltmp0:
0x1fe: {  	s31 =	rddreg [dreg:$0x5];
	[sflag:s7] =	ssyncadd.s32 $0xFFFFFC00;
	(pc) =	sbr.rel @p0 .LBB2_1-.Ltmp0, $4  }
0x1ff: {  	[hbm4b:s31+s2] =	stream.linear.scatter [tilespmem:s6], [sflag:$0x2], $0x4000, $0x38;
	[tilespmem:$0x4080] =	vst v63  }
0x200: {  	_ =	swait.ge [sflag:s5], $0x4000  }
0x201: {  	[sflag:s5] =	ssyncset.done $0x0  }
0x202: {  	s4 =	sadd.s32 $0xFFFFFFFF, s4;
	[sflag:s5] =	ssyncadd.s32 $0xFFFFC000  }
0x203: {  	_ =	sfence.sel $0x180000  }
0x204: {  	[bflag:$0x0] =	sbarrier.arrive $0xFFFF  }
0x205: {  	p0 =	sne.s32 s0, $0x0;
	_ =	strace $0x90000047  }
0x206: {  	s0 =	sadd.s32 @!p0 $0x100000, s1;
	[bflag:$0x2] =	sbarrier.arrive $0xFFFF  }
0x207: {  	[sflag:s0] =	ssyncadd.tile.s32 @!p0 $0x1;
	_ =	shalt  }
.Lfunc_end2:
_tile_overlayer_lowered:
.L_overlay_start_2:
0x208: {  	(tag) =	ssettag $0x2  }
0x209: {  	s0 =	rddreg [dreg:$0x0];
	s2 =	stileid.u32  }
0x20a: {  	s1 =	rddreg [dreg:$0x1];
	p0 =	sne.s32 s2, $0x0  }
0x20b: {  	s3 =	rddreg [dreg:$0x2];
	[bflag:$0x3] =	sbarrier.arrive $0xFFFF;
	s2 =	simm.s32 @!p0 $0x1C02  }
0x20c: {  	[timem:s3], [sflag:s2] =	dma.local @!p0 [hbm:s0], s1  }
0x20d: {  	s0 =	simm.s32 @!p0 $0x2  }
0x20e: {  	_ =	swait.ge @!p0 [sflag:s0], s1  }
0x20f: {  	s1 =	ssub.s32 @!p0 $0x0, s1;
	[sflag:s0] =	ssyncset.done @!p0 $0x0  }
0x210: {  	[sflag:s0] =	ssyncadd.s32 @!p0 s1  }
0x211: {  	[bflag:$0x3] =	sbarrier.arrive $0xFFFF  }
0x212: {  	_ =	shalt  }

</sc_bundles>
